<compile_context>
chip_gen: v7x
topology: tpu7x:2x2x1
jax: 0.10.2.dev20260603
libtpu: 0.0.44.dev20260713+nightly
codegen_flags: <defaults>
</compile_context>

<pallas_src>
import functools

import jax
import jax.numpy as jnp
from jax import lax
from jax.experimental import pallas as pl
from jax.experimental.pallas import tpu as pltpu
from jax.experimental.pallas import tpu_sc as plsc

N = 10000
E = 160000
D = 256
H = 256
C = 40
L = 6
EPS = 1e-5

HH = H // 2
NPAD = N + 8
NACC = 10112
NC = 2
NS = 16
NW = NC * NS
EPW = 10240
EPAD = EPW * NS
CHUNK = 128
NCHUNK = EPW // CHUNK
HALFC = NCHUNK // 2
ROWS_PER_SUB = NACC // NS


def _sc_agg_body(tbl0, tbl1, src3, dst3, zeros_hbm, out, src_i, dst_i,
                 rows_a, rows_b, acc_sp, sem_a, sem_b):
    cid = lax.axis_index("c")
    sid = lax.axis_index("s")

    def _run(tbl, out_half):
        r0 = sid * ROWS_PER_SUB
        pltpu.sync_copy(zeros_hbm.at[pl.ds(r0, ROWS_PER_SUB)],
                        acc_sp.at[pl.ds(r0, ROWS_PER_SUB)])
        plsc.subcore_barrier()

        for p in range(2):
            pltpu.sync_copy(src3.at[sid, pl.ds(p * HALFC, HALFC)], src_i)
            pltpu.sync_copy(dst3.at[sid, pl.ds(p * HALFC, HALFC)], dst_i)
            pltpu.async_copy(tbl.at[src_i.at[0]], rows_a, sem_a)

            def step(k, carry):
                c0 = 2 * k
                pltpu.async_copy(tbl.at[src_i.at[c0 + 1]], rows_b, sem_b)
                pltpu.make_async_copy(tbl.at[src_i.at[0]], rows_a,
                                      sem_a).wait()
                pltpu.sync_copy(rows_a, acc_sp.at[dst_i.at[c0]], add=True)
                nxt = jnp.minimum(c0 + 2, HALFC - 1)
                pltpu.async_copy(tbl.at[src_i.at[nxt]], rows_a, sem_a)
                pltpu.make_async_copy(tbl.at[src_i.at[0]], rows_b,
                                      sem_b).wait()
                pltpu.sync_copy(rows_b, acc_sp.at[dst_i.at[c0 + 1]], add=True)
                return carry

            lax.fori_loop(0, HALFC // 2, step, 0)
            pltpu.make_async_copy(tbl.at[src_i.at[0]], rows_a, sem_a).wait()
        plsc.subcore_barrier()
        pltpu.sync_copy(acc_sp.at[pl.ds(r0, ROWS_PER_SUB)],
                        out_half.at[pl.ds(r0, ROWS_PER_SUB)])

    @pl.when(cid == 0)
    def _():
        _run(tbl0, out.at[0])

    @pl.when(cid == 1)
    def _():
        _run(tbl1, out.at[1])


@jax.jit
def _sc_agg(tbl0, tbl1, srcp, dstp, zeros_hbm):
    mesh = plsc.VectorSubcoreMesh(core_axis_name="c", subcore_axis_name="s")
    return pl.kernel(
        _sc_agg_body,
        out_type=jax.ShapeDtypeStruct((2, NACC, HH), jnp.float32),
        mesh=mesh,
        scratch_types=[
            pltpu.VMEM((HALFC, CHUNK), jnp.int32),
            pltpu.VMEM((HALFC, CHUNK), jnp.int32),
            pltpu.VMEM((CHUNK, HH), jnp.float32),
            pltpu.VMEM((CHUNK, HH), jnp.float32),
            pltpu.VMEM_SHARED((NACC, HH), jnp.float32),
            pltpu.SemaphoreType.DMA,
            pltpu.SemaphoreType.DMA,
        ],
    )(tbl0, tbl1, srcp, dstp, zeros_hbm)


def _bn(x, g, b):
    m = jnp.mean(x, axis=0, keepdims=True)
    d = x - m
    v = jnp.mean(d * d, axis=0, keepdims=True)
    return d * lax.rsqrt(v + EPS) * g + b


def _gate_relu(h, x_input, Wa_h, Wa_x, b_att):
    a = jax.nn.sigmoid(jnp.dot(h, Wa_h, preferred_element_type=jnp.float32)
                       + jnp.dot(x_input, Wa_x,
                                 preferred_element_type=jnp.float32) + b_att)
    return jnp.maximum((1.0 - a) * h + a * x_input, 0.0)


def _k_in_body(x, W_in, b_in, g_in, be_in, h0):
    h = jnp.dot(x[...], W_in[...], preferred_element_type=jnp.float32) + b_in[...]
    h0[...] = _bn(h, g_in[...], be_in[...])


def _k_fin_body(S, t0p, t1p, bc_p, gs_p, bs_p, degcol, hout):
    dinv = lax.rsqrt(degcol[...] + 1.0)
    Sfull = jnp.concatenate([S[0, :N] + t0p[:N], S[1, :N] + t1p[:N]], axis=1)
    agg = dinv * Sfull + bc_p[...]
    hout[...] = _bn(agg, gs_p[...], bs_p[...])


def _k_gm_body(h, x_input, Wa_h, Wa_x, b_att, Wc, degcol, t0, t1):
    dinv = lax.rsqrt(degcol[...] + 1.0)
    g = _gate_relu(h[...], x_input[...], Wa_h[...], Wa_x[...], b_att[...])
    hs = jnp.dot(g, Wc[...], preferred_element_type=jnp.float32) * dinv
    z = jnp.zeros((NPAD - N, HH), jnp.float32)
    t0[...] = jnp.concatenate([hs[:, :HH], z], axis=0)
    t1[...] = jnp.concatenate([hs[:, HH:], z], axis=0)


def _k_head_body(h, x_input, Wa_h, Wa_x, b_att, W_out, b_out, out):
    g = _gate_relu(h[...], x_input[...], Wa_h[...], Wa_x[...], b_att[...])
    o = jnp.dot(g, W_out[...], preferred_element_type=jnp.float32) + b_out[...]
    mx = jnp.max(o, axis=1, keepdims=True)
    ex = jnp.exp(o - mx)
    out[...] = o - mx - jnp.log(jnp.sum(ex, axis=1, keepdims=True))


_f32 = lambda *s: jax.ShapeDtypeStruct(s, jnp.float32)

_k_in = pl.pallas_call(_k_in_body, out_shape=_f32(N, H))
_k_fin = pl.pallas_call(_k_fin_body, out_shape=_f32(N, H))
_k_gm = pl.pallas_call(_k_gm_body, out_shape=(_f32(NPAD, HH), _f32(NPAD, HH)))
_k_head = pl.pallas_call(_k_head_body, out_shape=_f32(N, C))


def kernel(x, edge_index, W_in, b_in, g_in, be_in, Wc, bc, gs, bs, W_att,
           b_att, W_out, b_out):
    src = edge_index[0].astype(jnp.int32)
    dst = edge_index[1].astype(jnp.int32)
    pad = EPAD - E
    srcp = jnp.concatenate([src, jnp.full((pad,), N, jnp.int32)])
    dstp = jnp.concatenate([dst, jnp.zeros((pad,), jnp.int32)])
    srcp = srcp.reshape(NS, NCHUNK, CHUNK)
    dstp = dstp.reshape(NS, NCHUNK, CHUNK)
    zeros_hbm = jnp.zeros((NACC, HH), jnp.float32)
    ones_tbl = jnp.concatenate(
        [jnp.ones((N, HH), jnp.float32), jnp.zeros((NPAD - N, HH), jnp.float32)])

    degcol = _sc_agg(ones_tbl, ones_tbl, srcp, dstp, zeros_hbm)[0, :N, :1]

    Wa_h = W_att[:H]
    Wa_x = W_att[H:]

    h0 = _k_in(x, W_in, b_in, g_in, be_in)
    t0, t1 = _k_gm(h0, h0, Wa_h, Wa_x, b_att, Wc[0], degcol)
    for i in range(1, L + 1):
        S = _sc_agg(t0, t1, srcp, dstp, zeros_hbm)
        h = _k_fin(S, t0, t1, bc[i - 1], gs[i - 1], bs[i - 1], degcol)
        if i < L:
            t0, t1 = _k_gm(h, h0, Wa_h, Wa_x, b_att, Wc[i], degcol)
    return _k_head(h, h0, Wa_h, Wa_x, b_att, W_out, b_out)

# --- scband reference (transcript-rebuilt; emitter-appended) ---
"""Pipeline reference for scband-gcn-air-75213467287806 (READ-ONLY COPY).

The authoritative reference and input builder live on the scoring server;
editing this copy changes nothing except your own understanding.
"""

import jax, jax.numpy as jnp
import numpy as np

N = 10000
E = 160000
D = 256
H = 256
C = 40
L = 6
EPS = 1e-5


def _bn(x, g, b):
    m = x.mean(axis=0)
    v = x.var(axis=0)
    return (x - m) / jnp.sqrt(v + EPS) * g + b


def _gcn_conv(x, W, b, src, dst, n):
    h = x @ W
    deg = jnp.zeros((n,), h.dtype).at[dst].add(1.0) + 1.0  # +1 for self loops
    dinv = 1.0 / jnp.sqrt(deg)
    coef = (dinv[src] * dinv[dst])[:, None]
    agg = jnp.zeros_like(h).at[dst].add(h[src] * coef)
    agg = agg + h * (dinv * dinv)[:, None]  # self-loop contribution
    return agg + b


def setup_inputs(seed: int = 0) -> dict:
    key = jax.random.key(seed)
    ks = jax.random.split(key, 8)
    x = jax.random.normal(ks[0], (N, D), jnp.float32)
    edge_index = jax.random.randint(ks[1], (2, E), 0, N)
    W_in = jax.random.normal(ks[2], (D, H), jnp.float32) / np.sqrt(D)
    b_in = jnp.zeros((H,), jnp.float32)
    g_in = jnp.ones((H,), jnp.float32)
    be_in = jnp.zeros((H,), jnp.float32)
    Wc = jax.random.normal(ks[3], (L, H, H), jnp.float32) / np.sqrt(H)
    bc = jnp.zeros((L, H), jnp.float32)
    gs = jnp.ones((L, H), jnp.float32)
    bs = jnp.zeros((L, H), jnp.float32)
    W_att = jax.random.normal(ks[4], (D + H, 1), jnp.float32) / np.sqrt(D + H)
    b_att = jnp.zeros((1,), jnp.float32)
    W_out = jax.random.normal(ks[5], (H, C), jnp.float32) / np.sqrt(H)
    b_out = jnp.zeros((C,), jnp.float32)
    return {"x": x, "edge_index": edge_index, "W_in": W_in, "b_in": b_in,
            "g_in": g_in, "be_in": be_in, "Wc": Wc, "bc": bc, "gs": gs,
            "bs": bs, "W_att": W_att, "b_att": b_att, "W_out": W_out,
            "b_out": b_out}


def reference(x, edge_index, W_in, b_in, g_in, be_in, Wc, bc, gs, bs, W_att, b_att, W_out, b_out):
    src = edge_index[0]
    dst = edge_index[1]
    n = x.shape[0]
    h = _bn(x @ W_in + b_in, g_in, be_in)
    x_input = h
    for i in range(L):
        a = jax.nn.sigmoid(jnp.concatenate([h, x_input], axis=1) @ W_att + b_att)
        h = (1.0 - a) * h + a * x_input
        h = jax.nn.relu(h)
        # dropout is identity in eval mode
        h = _bn(_gcn_conv(h, Wc[i], bc[i], src, dst, n), gs[i], bs[i])
    a = jax.nn.sigmoid(jnp.concatenate([h, x_input], axis=1) @ W_att + b_att)
    h = (1.0 - a) * h + a * x_input
    h = jax.nn.relu(h)
    out = h @ W_out + b_out
    return jax.nn.log_softmax(out, axis=1)

if __name__ == "__main__":
    import jax
    _d = setup_inputs()
    print(jax.jit(kernel)(*tuple(_d.values())))

</pallas_src>

<mosaic_0001>
#map = affine_map<(d0, d1) -> (0, 0)>
#map1 = affine_map<(d0, d1) -> (0, 0, 0)>
module attributes {stable_mosaic.version = 14 : i64} {
  func.func @_sc_agg_body(%arg0: i32, %arg1: i32, %arg2: memref<10008x128xf32, #tpu.memory_space<hbm>>, %arg3: memref<10008x128xf32, #tpu.memory_space<hbm>>, %arg4: memref<16x80x128xi32, #tpu.memory_space<hbm>>, %arg5: memref<16x80x128xi32, #tpu.memory_space<hbm>>, %arg6: memref<10112x128xf32, #tpu.memory_space<hbm>>, %arg7: memref<2x10112x128xf32, #tpu.memory_space<hbm>>, %arg8: memref<40x128xi32, #tpu.memory_space<vmem>>, %arg9: memref<40x128xi32, #tpu.memory_space<vmem>>, %arg10: memref<128x128xf32, #tpu.memory_space<vmem>>, %arg11: memref<128x128xf32, #tpu.memory_space<vmem>>, %arg12: memref<10112x128xf32, #tpu.memory_space<vmem_shared>>, %arg13: memref<!tpu.dma_semaphore, #tpu.memory_space<semaphore_mem>>, %arg14: memref<!tpu.dma_semaphore, #tpu.memory_space<semaphore_mem>>) attributes {dimension_semantics = [#tpu.dimension_semantics<core_parallel>, #tpu.dimension_semantics<subcore_parallel>], iteration_bounds = array<i64: 2, 16>, scalar_prefetch = 0 : i64, scratch_operands = 7 : i64, tpu.core_type = #tpu.core_type<sc_vector_subcore>, window_params = [{transform_indices = #map}, {transform_indices = #map}, {transform_indices = #map1}, {transform_indices = #map1}, {transform_indices = #map}, {transform_indices = #map1}]} {
    %eq3A = arith.constant 0 : i32
    %eq3A_0 = arith.cmpi eq, %arg0, %eq3A : i32
    %convert_element_type3A = arith.extui %eq3A_0 : i1 to i32
    %cond3A = arith.constant 0 : i32
    %cond3A_1 = arith.cmpi ne, %convert_element_type3A, %cond3A : i32
    scf.if %cond3A_1 {
      %mul3A = arith.constant 632 : i32
      %mul3A_7 = arith.muli %arg1, %mul3A : i32
      "tpu.region"() ({
        %run_scoped3A_46 = tpu.sem_alloc : memref<!tpu.dma_semaphore, #tpu.memory_space<semaphore_mem>>
        %dma_start3A_47 = arith.constant 0 : i32
        %dma_start3A_48 = tpu.memref_slice %arg12[%mul3A_7, %dma_start3A_47] : memref<10112x128xf32, #tpu.memory_space<vmem_shared>> -> memref<632x128xf32, #tpu.memory_space<vmem_shared>>
        %dma_start3A_49 = arith.constant 0 : i32
        %dma_start3A_50 = tpu.memref_slice %arg6[%mul3A_7, %dma_start3A_49] : memref<10112x128xf32, #tpu.memory_space<hbm>> -> memref<632x128xf32, #tpu.memory_space<hbm>>
        tpu.enqueue_dma source(%dma_start3A_50 : memref<632x128xf32, #tpu.memory_space<hbm>>) target(%dma_start3A_48 : memref<632x128xf32, #tpu.memory_space<vmem_shared>>) target_semaphore(%run_scoped3A_46 : memref<!tpu.dma_semaphore, #tpu.memory_space<semaphore_mem>>)
        %dma_wait3A_51 = arith.constant 0 : i32
        %dma_wait3A_52 = tpu.memref_slice %arg12[%mul3A_7, %dma_wait3A_51] : memref<10112x128xf32, #tpu.memory_space<vmem_shared>> -> memref<632x128xf32, #tpu.memory_space<vmem_shared>>
        %dma_wait3A_53 = arith.constant 0 : i32
        %dma_wait3A_54 = tpu.memref_slice %arg6[%mul3A_7, %dma_wait3A_53] : memref<10112x128xf32, #tpu.memory_space<hbm>> -> memref<632x128xf32, #tpu.memory_space<hbm>>
        tpu.wait_dma2 semaphore(%run_scoped3A_46 : memref<!tpu.dma_semaphore, #tpu.memory_space<semaphore_mem>>) src(%dma_wait3A_54 : memref<632x128xf32, #tpu.memory_space<hbm>>) dst(%dma_wait3A_52 : memref<632x128xf32, #tpu.memory_space<vmem_shared>>)
        tpu.yield
      }) : () -> ()
      %barrier3A = arith.constant 0 : index
      tpu.barrier barrier_id(%barrier3A)
      "tpu.region"() ({
        %run_scoped3A_46 = tpu.sem_alloc : memref<!tpu.dma_semaphore, #tpu.memory_space<semaphore_mem>>
        %dma_start3A_47 = arith.constant 0 : i32
        %dma_start3A_48 = arith.constant 0 : i32
        %dma_start3A_49 = tpu.memref_slice %arg4[%arg1, %dma_start3A_47, %dma_start3A_48] : memref<16x80x128xi32, #tpu.memory_space<hbm>> -> memref<1x40x128xi32, #tpu.memory_space<hbm>>
        %dma_start3A_50 = tpu.memref_squeeze %dma_start3A_49 : memref<1x40x128xi32, #tpu.memory_space<hbm>> -> memref<40x128xi32, #tpu.memory_space<hbm>>
        %dma_start3A_51 = arith.constant 0 : i32
        %dma_start3A_52 = arith.constant 0 : i32
        %dma_start3A_53 = tpu.memref_slice %arg4[%arg1, %dma_start3A_51, %dma_start3A_52] : memref<16x80x128xi32, #tpu.memory_space<hbm>> -> memref<1x40x128xi32, #tpu.memory_space<hbm>>
        %dma_start3A_54 = tpu.memref_squeeze %dma_start3A_53 : memref<1x40x128xi32, #tpu.memory_space<hbm>> -> memref<40x128xi32, #tpu.memory_space<hbm>>
        tpu.enqueue_dma source(%dma_start3A_54 : memref<40x128xi32, #tpu.memory_space<hbm>>) target(%arg8 : memref<40x128xi32, #tpu.memory_space<vmem>>) target_semaphore(%run_scoped3A_46 : memref<!tpu.dma_semaphore, #tpu.memory_space<semaphore_mem>>)
        %dma_wait3A_55 = arith.constant 0 : i32
        %dma_wait3A_56 = arith.constant 0 : i32
        %dma_wait3A_57 = tpu.memref_slice %arg4[%arg1, %dma_wait3A_55, %dma_wait3A_56] : memref<16x80x128xi32, #tpu.memory_space<hbm>> -> memref<1x40x128xi32, #tpu.memory_space<hbm>>
        %dma_wait3A_58 = tpu.memref_squeeze %dma_wait3A_57 : memref<1x40x128xi32, #tpu.memory_space<hbm>> -> memref<40x128xi32, #tpu.memory_space<hbm>>
        %dma_wait3A_59 = arith.constant 0 : i32
        %dma_wait3A_60 = arith.constant 0 : i32
        %dma_wait3A_61 = tpu.memref_slice %arg4[%arg1, %dma_wait3A_59, %dma_wait3A_60] : memref<16x80x128xi32, #tpu.memory_space<hbm>> -> memref<1x40x128xi32, #tpu.memory_space<hbm>>
        %dma_wait3A_62 = tpu.memref_squeeze %dma_wait3A_61 : memref<1x40x128xi32, #tpu.memory_space<hbm>> -> memref<40x128xi32, #tpu.memory_space<hbm>>
        tpu.wait_dma2 semaphore(%run_scoped3A_46 : memref<!tpu.dma_semaphore, #tpu.memory_space<semaphore_mem>>) src(%dma_wait3A_62 : memref<40x128xi32, #tpu.memory_space<hbm>>) dst(%arg8 : memref<40x128xi32, #tpu.memory_space<vmem>>)
        tpu.yield
      }) : () -> ()
      "tpu.region"() ({
        %run_scoped3A_46 = tpu.sem_alloc : memref<!tpu.dma_semaphore, #tpu.memory_space<semaphore_mem>>
        %dma_start3A_47 = arith.constant 0 : i32
        %dma_start3A_48 = arith.constant 0 : i32
        %dma_start3A_49 = tpu.memref_slice %arg5[%arg1, %dma_start3A_47, %dma_start3A_48] : memref<16x80x128xi32, #tpu.memory_space<hbm>> -> memref<1x40x128xi32, #tpu.memory_space<hbm>>
        %dma_start3A_50 = tpu.memref_squeeze %dma_start3A_49 : memref<1x40x128xi32, #tpu.memory_space<hbm>> -> memref<40x128xi32, #tpu.memory_space<hbm>>
        %dma_start3A_51 = arith.constant 0 : i32
        %dma_start3A_52 = arith.constant 0 : i32
        %dma_start3A_53 = tpu.memref_slice %arg5[%arg1, %dma_start3A_51, %dma_start3A_52] : memref<16x80x128xi32, #tpu.memory_space<hbm>> -> memref<1x40x128xi32, #tpu.memory_space<hbm>>
        %dma_start3A_54 = tpu.memref_squeeze %dma_start3A_53 : memref<1x40x128xi32, #tpu.memory_space<hbm>> -> memref<40x128xi32, #tpu.memory_space<hbm>>
        tpu.enqueue_dma source(%dma_start3A_54 : memref<40x128xi32, #tpu.memory_space<hbm>>) target(%arg9 : memref<40x128xi32, #tpu.memory_space<vmem>>) target_semaphore(%run_scoped3A_46 : memref<!tpu.dma_semaphore, #tpu.memory_space<semaphore_mem>>)
        %dma_wait3A_55 = arith.constant 0 : i32
        %dma_wait3A_56 = arith.constant 0 : i32
        %dma_wait3A_57 = tpu.memref_slice %arg5[%arg1, %dma_wait3A_55, %dma_wait3A_56] : memref<16x80x128xi32, #tpu.memory_space<hbm>> -> memref<1x40x128xi32, #tpu.memory_space<hbm>>
        %dma_wait3A_58 = tpu.memref_squeeze %dma_wait3A_57 : memref<1x40x128xi32, #tpu.memory_space<hbm>> -> memref<40x128xi32, #tpu.memory_space<hbm>>
        %dma_wait3A_59 = arith.constant 0 : i32
        %dma_wait3A_60 = arith.constant 0 : i32
        %dma_wait3A_61 = tpu.memref_slice %arg5[%arg1, %dma_wait3A_59, %dma_wait3A_60] : memref<16x80x128xi32, #tpu.memory_space<hbm>> -> memref<1x40x128xi32, #tpu.memory_space<hbm>>
        %dma_wait3A_62 = tpu.memref_squeeze %dma_wait3A_61 : memref<1x40x128xi32, #tpu.memory_space<hbm>> -> memref<40x128xi32, #tpu.memory_space<hbm>>
        tpu.wait_dma2 semaphore(%run_scoped3A_46 : memref<!tpu.dma_semaphore, #tpu.memory_space<semaphore_mem>>) src(%dma_wait3A_62 : memref<40x128xi32, #tpu.memory_space<hbm>>) dst(%arg9 : memref<40x128xi32, #tpu.memory_space<vmem>>)
        tpu.yield
      }) : () -> ()
      %dma_start3A = arith.constant 0 : i32
      %dma_start3A_8 = arith.constant 0 : i32
      %dma_start3A_9 = tpu.memref_slice %arg8[%dma_start3A, %dma_start3A_8] : memref<40x128xi32, #tpu.memory_space<vmem>> -> memref<1x128xi32, #tpu.memory_space<vmem>>
      %dma_start3A_10 = tpu.memref_squeeze %dma_start3A_9 : memref<1x128xi32, #tpu.memory_space<vmem>> -> memref<128xi32, #tpu.memory_space<vmem>>
      %dma_start3A_11 = arith.constant 0 : i32
      %dma_start3A_12 = arith.constant 0 : i32
      %dma_start3A_13 = tpu.memref_slice %arg2[%dma_start3A_11, %dma_start3A_12] : memref<10008x128xf32, #tpu.memory_space<hbm>> -> memref<10008x128xf32, #tpu.memory_space<hbm>>
      tpu.enqueue_indirect_dma source(%dma_start3A_13 : memref<10008x128xf32, #tpu.memory_space<hbm>>) target(%arg10 : memref<128x128xf32, #tpu.memory_space<vmem>>) offsets(%dma_start3A_10 : memref<128xi32, #tpu.memory_space<vmem>>) semaphore(%arg13 : memref<!tpu.dma_semaphore, #tpu.memory_space<semaphore_mem>>)
      %scan3A = arith.constant 0 : i32
      %scan3A_14 = arith.constant 0 : i32
      %scan3A_15 = arith.constant 20 : i32
      %scan3A_16 = arith.addi %scan3A_14, %scan3A_15 : i32
      %scan3A_17 = arith.constant 1 : i32
      scf.for %scan3A_46 = %scan3A_14 to %scan3A_16 step %scan3A_17  : i32 {
        %mul3A_47 = arith.constant 2 : i32
        %mul3A_48 = arith.muli %mul3A_47, %scan3A_46 : i32
        %add3A = arith.constant 1 : i32
        %add3A_49 = arith.addi %mul3A_48, %add3A : i32
        %dma_start3A_50 = arith.constant 0 : i32
        %dma_start3A_51 = tpu.memref_slice %arg8[%add3A_49, %dma_start3A_50] : memref<40x128xi32, #tpu.memory_space<vmem>> -> memref<1x128xi32, #tpu.memory_space<vmem>>
        %dma_start3A_52 = tpu.memref_squeeze %dma_start3A_51 : memref<1x128xi32, #tpu.memory_space<vmem>> -> memref<128xi32, #tpu.memory_space<vmem>>
        %dma_start3A_53 = arith.constant 0 : i32
        %dma_start3A_54 = arith.constant 0 : i32
        %dma_start3A_55 = tpu.memref_slice %arg2[%dma_start3A_53, %dma_start3A_54] : memref<10008x128xf32, #tpu.memory_space<hbm>> -> memref<10008x128xf32, #tpu.memory_space<hbm>>
        tpu.enqueue_indirect_dma source(%dma_start3A_55 : memref<10008x128xf32, #tpu.memory_space<hbm>>) target(%arg11 : memref<128x128xf32, #tpu.memory_space<vmem>>) offsets(%dma_start3A_52 : memref<128xi32, #tpu.memory_space<vmem>>) semaphore(%arg14 : memref<!tpu.dma_semaphore, #tpu.memory_space<semaphore_mem>>)
        %dma_wait3A_56 = arith.constant 0 : i32
        %dma_wait3A_57 = arith.constant 0 : i32
        %dma_wait3A_58 = tpu.memref_slice %arg8[%dma_wait3A_56, %dma_wait3A_57] : memref<40x128xi32, #tpu.memory_space<vmem>> -> memref<1x128xi32, #tpu.memory_space<vmem>>
        %dma_wait3A_59 = tpu.memref_squeeze %dma_wait3A_58 : memref<1x128xi32, #tpu.memory_space<vmem>> -> memref<128xi32, #tpu.memory_space<vmem>>
        %dma_wait3A_60 = arith.constant 0 : i32
        %dma_wait3A_61 = arith.constant 0 : i32
        %dma_wait3A_62 = tpu.memref_slice %arg2[%dma_wait3A_60, %dma_wait3A_61] : memref<10008x128xf32, #tpu.memory_space<hbm>> -> memref<10008x128xf32, #tpu.memory_space<hbm>>
        tpu.wait_indirect_dma semaphore(%arg13 : memref<!tpu.dma_semaphore, #tpu.memory_space<semaphore_mem>>) src(%dma_wait3A_62 : memref<10008x128xf32, #tpu.memory_space<hbm>>) dst(%arg10 : memref<128x128xf32, #tpu.memory_space<vmem>>)
        "tpu.region"() ({
          %run_scoped3A_81 = tpu.sem_alloc : memref<!tpu.dma_semaphore, #tpu.memory_space<semaphore_mem>>
          %dma_start3A_82 = arith.constant 0 : i32
          %dma_start3A_83 = tpu.memref_slice %arg9[%mul3A_48, %dma_start3A_82] : memref<40x128xi32, #tpu.memory_space<vmem>> -> memref<1x128xi32, #tpu.memory_space<vmem>>
          %dma_start3A_84 = tpu.memref_squeeze %dma_start3A_83 : memref<1x128xi32, #tpu.memory_space<vmem>> -> memref<128xi32, #tpu.memory_space<vmem>>
          %dma_start3A_85 = arith.constant 0 : i32
          %dma_start3A_86 = arith.constant 0 : i32
          %dma_start3A_87 = tpu.memref_slice %arg12[%dma_start3A_85, %dma_start3A_86] : memref<10112x128xf32, #tpu.memory_space<vmem_shared>> -> memref<10112x128xf32, #tpu.memory_space<vmem_shared>>
          tpu.enqueue_indirect_dma source(%arg10 : memref<128x128xf32, #tpu.memory_space<vmem>>) target(%dma_start3A_87 : memref<10112x128xf32, #tpu.memory_space<vmem_shared>>) offsets(%dma_start3A_84 : memref<128xi32, #tpu.memory_space<vmem>>) semaphore(%run_scoped3A_81 : memref<!tpu.dma_semaphore, #tpu.memory_space<semaphore_mem>>) {add = true}
          %dma_wait3A_88 = arith.constant 0 : i32
          %dma_wait3A_89 = tpu.memref_slice %arg9[%mul3A_48, %dma_wait3A_88] : memref<40x128xi32, #tpu.memory_space<vmem>> -> memref<1x128xi32, #tpu.memory_space<vmem>>
          %dma_wait3A_90 = tpu.memref_squeeze %dma_wait3A_89 : memref<1x128xi32, #tpu.memory_space<vmem>> -> memref<128xi32, #tpu.memory_space<vmem>>
          %dma_wait3A_91 = arith.constant 0 : i32
          %dma_wait3A_92 = arith.constant 0 : i32
          %dma_wait3A_93 = tpu.memref_slice %arg12[%dma_wait3A_91, %dma_wait3A_92] : memref<10112x128xf32, #tpu.memory_space<vmem_shared>> -> memref<10112x128xf32, #tpu.memory_space<vmem_shared>>
          tpu.wait_indirect_dma semaphore(%run_scoped3A_81 : memref<!tpu.dma_semaphore, #tpu.memory_space<semaphore_mem>>) src(%arg10 : memref<128x128xf32, #tpu.memory_space<vmem>>) dst(%dma_wait3A_93 : memref<10112x128xf32, #tpu.memory_space<vmem_shared>>)
          tpu.yield
        }) : () -> ()
        %add3A_63 = arith.constant 2 : i32
        %add3A_64 = arith.addi %mul3A_48, %add3A_63 : i32
        %min3A = arith.constant 39 : i32
        %min3A_65 = arith.minsi %add3A_64, %min3A : i32
        %dma_start3A_66 = arith.constant 0 : i32
        %dma_start3A_67 = tpu.memref_slice %arg8[%min3A_65, %dma_start3A_66] : memref<40x128xi32, #tpu.memory_space<vmem>> -> memref<1x128xi32, #tpu.memory_space<vmem>>
        %dma_start3A_68 = tpu.memref_squeeze %dma_start3A_67 : memref<1x128xi32, #tpu.memory_space<vmem>> -> memref<128xi32, #tpu.memory_space<vmem>>
        %dma_start3A_69 = arith.constant 0 : i32
        %dma_start3A_70 = arith.constant 0 : i32
        %dma_start3A_71 = tpu.memref_slice %arg2[%dma_start3A_69, %dma_start3A_70] : memref<10008x128xf32, #tpu.memory_space<hbm>> -> memref<10008x128xf32, #tpu.memory_space<hbm>>
        tpu.enqueue_indirect_dma source(%dma_start3A_71 : memref<10008x128xf32, #tpu.memory_space<hbm>>) target(%arg10 : memref<128x128xf32, #tpu.memory_space<vmem>>) offsets(%dma_start3A_68 : memref<128xi32, #tpu.memory_space<vmem>>) semaphore(%arg13 : memref<!tpu.dma_semaphore, #tpu.memory_space<semaphore_mem>>)
        %dma_wait3A_72 = arith.constant 0 : i32
        %dma_wait3A_73 = arith.constant 0 : i32
        %dma_wait3A_74 = tpu.memref_slice %arg8[%dma_wait3A_72, %dma_wait3A_73] : memref<40x128xi32, #tpu.memory_space<vmem>> -> memref<1x128xi32, #tpu.memory_space<vmem>>
        %dma_wait3A_75 = tpu.memref_squeeze %dma_wait3A_74 : memref<1x128xi32, #tpu.memory_space<vmem>> -> memref<128xi32, #tpu.memory_space<vmem>>
        %dma_wait3A_76 = arith.constant 0 : i32
        %dma_wait3A_77 = arith.constant 0 : i32
        %dma_wait3A_78 = tpu.memref_slice %arg2[%dma_wait3A_76, %dma_wait3A_77] : memref<10008x128xf32, #tpu.memory_space<hbm>> -> memref<10008x128xf32, #tpu.memory_space<hbm>>
        tpu.wait_indirect_dma semaphore(%arg14 : memref<!tpu.dma_semaphore, #tpu.memory_space<semaphore_mem>>) src(%dma_wait3A_78 : memref<10008x128xf32, #tpu.memory_space<hbm>>) dst(%arg11 : memref<128x128xf32, #tpu.memory_space<vmem>>)
        %add3A_79 = arith.constant 1 : i32
        %add3A_80 = arith.addi %mul3A_48, %add3A_79 : i32
        "tpu.region"() ({
          %run_scoped3A_81 = tpu.sem_alloc : memref<!tpu.dma_semaphore, #tpu.memory_space<semaphore_mem>>
          %dma_start3A_82 = arith.constant 0 : i32
          %dma_start3A_83 = tpu.memref_slice %arg9[%add3A_80, %dma_start3A_82] : memref<40x128xi32, #tpu.memory_space<vmem>> -> memref<1x128xi32, #tpu.memory_space<vmem>>
          %dma_start3A_84 = tpu.memref_squeeze %dma_start3A_83 : memref<1x128xi32, #tpu.memory_space<vmem>> -> memref<128xi32, #tpu.memory_space<vmem>>
          %dma_start3A_85 = arith.constant 0 : i32
          %dma_start3A_86 = arith.constant 0 : i32
          %dma_start3A_87 = tpu.memref_slice %arg12[%dma_start3A_85, %dma_start3A_86] : memref<10112x128xf32, #tpu.memory_space<vmem_shared>> -> memref<10112x128xf32, #tpu.memory_space<vmem_shared>>
          tpu.enqueue_indirect_dma source(%arg11 : memref<128x128xf32, #tpu.memory_space<vmem>>) target(%dma_start3A_87 : memref<10112x128xf32, #tpu.memory_space<vmem_shared>>) offsets(%dma_start3A_84 : memref<128xi32, #tpu.memory_space<vmem>>) semaphore(%run_scoped3A_81 : memref<!tpu.dma_semaphore, #tpu.memory_space<semaphore_mem>>) {add = true}
          %dma_wait3A_88 = arith.constant 0 : i32
          %dma_wait3A_89 = tpu.memref_slice %arg9[%add3A_80, %dma_wait3A_88] : memref<40x128xi32, #tpu.memory_space<vmem>> -> memref<1x128xi32, #tpu.memory_space<vmem>>
          %dma_wait3A_90 = tpu.memref_squeeze %dma_wait3A_89 : memref<1x128xi32, #tpu.memory_space<vmem>> -> memref<128xi32, #tpu.memory_space<vmem>>
          %dma_wait3A_91 = arith.constant 0 : i32
          %dma_wait3A_92 = arith.constant 0 : i32
          %dma_wait3A_93 = tpu.memref_slice %arg12[%dma_wait3A_91, %dma_wait3A_92] : memref<10112x128xf32, #tpu.memory_space<vmem_shared>> -> memref<10112x128xf32, #tpu.memory_space<vmem_shared>>
          tpu.wait_indirect_dma semaphore(%run_scoped3A_81 : memref<!tpu.dma_semaphore, #tpu.memory_space<semaphore_mem>>) src(%arg11 : memref<128x128xf32, #tpu.memory_space<vmem>>) dst(%dma_wait3A_93 : memref<10112x128xf32, #tpu.memory_space<vmem_shared>>)
          tpu.yield
        }) : () -> ()
      }
      %scan3A_18 = arith.constant 20 : i32
      %dma_wait3A = arith.constant 0 : i32
      %dma_wait3A_19 = arith.constant 0 : i32
      %dma_wait3A_20 = tpu.memref_slice %arg8[%dma_wait3A, %dma_wait3A_19] : memref<40x128xi32, #tpu.memory_space<vmem>> -> memref<1x128xi32, #tpu.memory_space<vmem>>
      %dma_wait3A_21 = tpu.memref_squeeze %dma_wait3A_20 : memref<1x128xi32, #tpu.memory_space<vmem>> -> memref<128xi32, #tpu.memory_space<vmem>>
      %dma_wait3A_22 = arith.constant 0 : i32
      %dma_wait3A_23 = arith.constant 0 : i32
      %dma_wait3A_24 = tpu.memref_slice %arg2[%dma_wait3A_22, %dma_wait3A_23] : memref<10008x128xf32, #tpu.memory_space<hbm>> -> memref<10008x128xf32, #tpu.memory_space<hbm>>
      tpu.wait_indirect_dma semaphore(%arg13 : memref<!tpu.dma_semaphore, #tpu.memory_space<semaphore_mem>>) src(%dma_wait3A_24 : memref<10008x128xf32, #tpu.memory_space<hbm>>) dst(%arg10 : memref<128x128xf32, #tpu.memory_space<vmem>>)
      "tpu.region"() ({
        %run_scoped3A_46 = tpu.sem_alloc : memref<!tpu.dma_semaphore, #tpu.memory_space<semaphore_mem>>
        %dma_start3A_47 = arith.constant 40 : i32
        %dma_start3A_48 = arith.constant 0 : i32
        %dma_start3A_49 = tpu.memref_slice %arg4[%arg1, %dma_start3A_47, %dma_start3A_48] : memref<16x80x128xi32, #tpu.memory_space<hbm>> -> memref<1x40x128xi32, #tpu.memory_space<hbm>>
        %dma_start3A_50 = tpu.memref_squeeze %dma_start3A_49 : memref<1x40x128xi32, #tpu.memory_space<hbm>> -> memref<40x128xi32, #tpu.memory_space<hbm>>
        %dma_start3A_51 = arith.constant 40 : i32
        %dma_start3A_52 = arith.constant 0 : i32
        %dma_start3A_53 = tpu.memref_slice %arg4[%arg1, %dma_start3A_51, %dma_start3A_52] : memref<16x80x128xi32, #tpu.memory_space<hbm>> -> memref<1x40x128xi32, #tpu.memory_space<hbm>>
        %dma_start3A_54 = tpu.memref_squeeze %dma_start3A_53 : memref<1x40x128xi32, #tpu.memory_space<hbm>> -> memref<40x128xi32, #tpu.memory_space<hbm>>
        tpu.enqueue_dma source(%dma_start3A_54 : memref<40x128xi32, #tpu.memory_space<hbm>>) target(%arg8 : memref<40x128xi32, #tpu.memory_space<vmem>>) target_semaphore(%run_scoped3A_46 : memref<!tpu.dma_semaphore, #tpu.memory_space<semaphore_mem>>)
        %dma_wait3A_55 = arith.constant 40 : i32
        %dma_wait3A_56 = arith.constant 0 : i32
        %dma_wait3A_57 = tpu.memref_slice %arg4[%arg1, %dma_wait3A_55, %dma_wait3A_56] : memref<16x80x128xi32, #tpu.memory_space<hbm>> -> memref<1x40x128xi32, #tpu.memory_space<hbm>>
        %dma_wait3A_58 = tpu.memref_squeeze %dma_wait3A_57 : memref<1x40x128xi32, #tpu.memory_space<hbm>> -> memref<40x128xi32, #tpu.memory_space<hbm>>
        %dma_wait3A_59 = arith.constant 40 : i32
        %dma_wait3A_60 = arith.constant 0 : i32
        %dma_wait3A_61 = tpu.memref_slice %arg4[%arg1, %dma_wait3A_59, %dma_wait3A_60] : memref<16x80x128xi32, #tpu.memory_space<hbm>> -> memref<1x40x128xi32, #tpu.memory_space<hbm>>
        %dma_wait3A_62 = tpu.memref_squeeze %dma_wait3A_61 : memref<1x40x128xi32, #tpu.memory_space<hbm>> -> memref<40x128xi32, #tpu.memory_space<hbm>>
        tpu.wait_dma2 semaphore(%run_scoped3A_46 : memref<!tpu.dma_semaphore, #tpu.memory_space<semaphore_mem>>) src(%dma_wait3A_62 : memref<40x128xi32, #tpu.memory_space<hbm>>) dst(%arg8 : memref<40x128xi32, #tpu.memory_space<vmem>>)
        tpu.yield
      }) : () -> ()
      "tpu.region"() ({
        %run_scoped3A_46 = tpu.sem_alloc : memref<!tpu.dma_semaphore, #tpu.memory_space<semaphore_mem>>
        %dma_start3A_47 = arith.constant 40 : i32
        %dma_start3A_48 = arith.constant 0 : i32
        %dma_start3A_49 = tpu.memref_slice %arg5[%arg1, %dma_start3A_47, %dma_start3A_48] : memref<16x80x128xi32, #tpu.memory_space<hbm>> -> memref<1x40x128xi32, #tpu.memory_space<hbm>>
        %dma_start3A_50 = tpu.memref_squeeze %dma_start3A_49 : memref<1x40x128xi32, #tpu.memory_space<hbm>> -> memref<40x128xi32, #tpu.memory_space<hbm>>
        %dma_start3A_51 = arith.constant 40 : i32
        %dma_start3A_52 = arith.constant 0 : i32
        %dma_start3A_53 = tpu.memref_slice %arg5[%arg1, %dma_start3A_51, %dma_start3A_52] : memref<16x80x128xi32, #tpu.memory_space<hbm>> -> memref<1x40x128xi32, #tpu.memory_space<hbm>>
        %dma_start3A_54 = tpu.memref_squeeze %dma_start3A_53 : memref<1x40x128xi32, #tpu.memory_space<hbm>> -> memref<40x128xi32, #tpu.memory_space<hbm>>
        tpu.enqueue_dma source(%dma_start3A_54 : memref<40x128xi32, #tpu.memory_space<hbm>>) target(%arg9 : memref<40x128xi32, #tpu.memory_space<vmem>>) target_semaphore(%run_scoped3A_46 : memref<!tpu.dma_semaphore, #tpu.memory_space<semaphore_mem>>)
        %dma_wait3A_55 = arith.constant 40 : i32
        %dma_wait3A_56 = arith.constant 0 : i32
        %dma_wait3A_57 = tpu.memref_slice %arg5[%arg1, %dma_wait3A_55, %dma_wait3A_56] : memref<16x80x128xi32, #tpu.memory_space<hbm>> -> memref<1x40x128xi32, #tpu.memory_space<hbm>>
        %dma_wait3A_58 = tpu.memref_squeeze %dma_wait3A_57 : memref<1x40x128xi32, #tpu.memory_space<hbm>> -> memref<40x128xi32, #tpu.memory_space<hbm>>
        %dma_wait3A_59 = arith.constant 40 : i32
        %dma_wait3A_60 = arith.constant 0 : i32
        %dma_wait3A_61 = tpu.memref_slice %arg5[%arg1, %dma_wait3A_59, %dma_wait3A_60] : memref<16x80x128xi32, #tpu.memory_space<hbm>> -> memref<1x40x128xi32, #tpu.memory_space<hbm>>
        %dma_wait3A_62 = tpu.memref_squeeze %dma_wait3A_61 : memref<1x40x128xi32, #tpu.memory_space<hbm>> -> memref<40x128xi32, #tpu.memory_space<hbm>>
        tpu.wait_dma2 semaphore(%run_scoped3A_46 : memref<!tpu.dma_semaphore, #tpu.memory_space<semaphore_mem>>) src(%dma_wait3A_62 : memref<40x128xi32, #tpu.memory_space<hbm>>) dst(%arg9 : memref<40x128xi32, #tpu.memory_space<vmem>>)
        tpu.yield
      }) : () -> ()
      %dma_start3A_25 = arith.constant 0 : i32
      %dma_start3A_26 = arith.constant 0 : i32
      %dma_start3A_27 = tpu.memref_slice %arg8[%dma_start3A_25, %dma_start3A_26] : memref<40x128xi32, #tpu.memory_space<vmem>> -> memref<1x128xi32, #tpu.memory_space<vmem>>
      %dma_start3A_28 = tpu.memref_squeeze %dma_start3A_27 : memref<1x128xi32, #tpu.memory_space<vmem>> -> memref<128xi32, #tpu.memory_space<vmem>>
      %dma_start3A_29 = arith.constant 0 : i32
      %dma_start3A_30 = arith.constant 0 : i32
      %dma_start3A_31 = tpu.memref_slice %arg2[%dma_start3A_29, %dma_start3A_30] : memref<10008x128xf32, #tpu.memory_space<hbm>> -> memref<10008x128xf32, #tpu.memory_space<hbm>>
      tpu.enqueue_indirect_dma source(%dma_start3A_31 : memref<10008x128xf32, #tpu.memory_space<hbm>>) target(%arg10 : memref<128x128xf32, #tpu.memory_space<vmem>>) offsets(%dma_start3A_28 : memref<128xi32, #tpu.memory_space<vmem>>) semaphore(%arg13 : memref<!tpu.dma_semaphore, #tpu.memory_space<semaphore_mem>>)
      %scan3A_32 = arith.constant 0 : i32
      %scan3A_33 = arith.constant 0 : i32
      %scan3A_34 = arith.constant 20 : i32
      %scan3A_35 = arith.addi %scan3A_33, %scan3A_34 : i32
      %scan3A_36 = arith.constant 1 : i32
      scf.for %scan3A_46 = %scan3A_33 to %scan3A_35 step %scan3A_36  : i32 {
        %mul3A_47 = arith.constant 2 : i32
        %mul3A_48 = arith.muli %mul3A_47, %scan3A_46 : i32
        %add3A = arith.constant 1 : i32
        %add3A_49 = arith.addi %mul3A_48, %add3A : i32
        %dma_start3A_50 = arith.constant 0 : i32
        %dma_start3A_51 = tpu.memref_slice %arg8[%add3A_49, %dma_start3A_50] : memref<40x128xi32, #tpu.memory_space<vmem>> -> memref<1x128xi32, #tpu.memory_space<vmem>>
        %dma_start3A_52 = tpu.memref_squeeze %dma_start3A_51 : memref<1x128xi32, #tpu.memory_space<vmem>> -> memref<128xi32, #tpu.memory_space<vmem>>
        %dma_start3A_53 = arith.constant 0 : i32
        %dma_start3A_54 = arith.constant 0 : i32
        %dma_start3A_55 = tpu.memref_slice %arg2[%dma_start3A_53, %dma_start3A_54] : memref<10008x128xf32, #tpu.memory_space<hbm>> -> memref<10008x128xf32, #tpu.memory_space<hbm>>
        tpu.enqueue_indirect_dma source(%dma_start3A_55 : memref<10008x128xf32, #tpu.memory_space<hbm>>) target(%arg11 : memref<128x128xf32, #tpu.memory_space<vmem>>) offsets(%dma_start3A_52 : memref<128xi32, #tpu.memory_space<vmem>>) semaphore(%arg14 : memref<!tpu.dma_semaphore, #tpu.memory_space<semaphore_mem>>)
        %dma_wait3A_56 = arith.constant 0 : i32
        %dma_wait3A_57 = arith.constant 0 : i32
        %dma_wait3A_58 = tpu.memref_slice %arg8[%dma_wait3A_56, %dma_wait3A_57] : memref<40x128xi32, #tpu.memory_space<vmem>> -> memref<1x128xi32, #tpu.memory_space<vmem>>
        %dma_wait3A_59 = tpu.memref_squeeze %dma_wait3A_58 : memref<1x128xi32, #tpu.memory_space<vmem>> -> memref<128xi32, #tpu.memory_space<vmem>>
        %dma_wait3A_60 = arith.constant 0 : i32
        %dma_wait3A_61 = arith.constant 0 : i32
        %dma_wait3A_62 = tpu.memref_slice %arg2[%dma_wait3A_60, %dma_wait3A_61] : memref<10008x128xf32, #tpu.memory_space<hbm>> -> memref<10008x128xf32, #tpu.memory_space<hbm>>
        tpu.wait_indirect_dma semaphore(%arg13 : memref<!tpu.dma_semaphore, #tpu.memory_space<semaphore_mem>>) src(%dma_wait3A_62 : memref<10008x128xf32, #tpu.memory_space<hbm>>) dst(%arg10 : memref<128x128xf32, #tpu.memory_space<vmem>>)
        "tpu.region"() ({
          %run_scoped3A_81 = tpu.sem_alloc : memref<!tpu.dma_semaphore, #tpu.memory_space<semaphore_mem>>
          %dma_start3A_82 = arith.constant 0 : i32
          %dma_start3A_83 = tpu.memref_slice %arg9[%mul3A_48, %dma_start3A_82] : memref<40x128xi32, #tpu.memory_space<vmem>> -> memref<1x128xi32, #tpu.memory_space<vmem>>
          %dma_start3A_84 = tpu.memref_squeeze %dma_start3A_83 : memref<1x128xi32, #tpu.memory_space<vmem>> -> memref<128xi32, #tpu.memory_space<vmem>>
          %dma_start3A_85 = arith.constant 0 : i32
          %dma_start3A_86 = arith.constant 0 : i32
          %dma_start3A_87 = tpu.memref_slice %arg12[%dma_start3A_85, %dma_start3A_86] : memref<10112x128xf32, #tpu.memory_space<vmem_shared>> -> memref<10112x128xf32, #tpu.memory_space<vmem_shared>>
          tpu.enqueue_indirect_dma source(%arg10 : memref<128x128xf32, #tpu.memory_space<vmem>>) target(%dma_start3A_87 : memref<10112x128xf32, #tpu.memory_space<vmem_shared>>) offsets(%dma_start3A_84 : memref<128xi32, #tpu.memory_space<vmem>>) semaphore(%run_scoped3A_81 : memref<!tpu.dma_semaphore, #tpu.memory_space<semaphore_mem>>) {add = true}
          %dma_wait3A_88 = arith.constant 0 : i32
          %dma_wait3A_89 = tpu.memref_slice %arg9[%mul3A_48, %dma_wait3A_88] : memref<40x128xi32, #tpu.memory_space<vmem>> -> memref<1x128xi32, #tpu.memory_space<vmem>>
          %dma_wait3A_90 = tpu.memref_squeeze %dma_wait3A_89 : memref<1x128xi32, #tpu.memory_space<vmem>> -> memref<128xi32, #tpu.memory_space<vmem>>
          %dma_wait3A_91 = arith.constant 0 : i32
          %dma_wait3A_92 = arith.constant 0 : i32
          %dma_wait3A_93 = tpu.memref_slice %arg12[%dma_wait3A_91, %dma_wait3A_92] : memref<10112x128xf32, #tpu.memory_space<vmem_shared>> -> memref<10112x128xf32, #tpu.memory_space<vmem_shared>>
          tpu.wait_indirect_dma semaphore(%run_scoped3A_81 : memref<!tpu.dma_semaphore, #tpu.memory_space<semaphore_mem>>) src(%arg10 : memref<128x128xf32, #tpu.memory_space<vmem>>) dst(%dma_wait3A_93 : memref<10112x128xf32, #tpu.memory_space<vmem_shared>>)
          tpu.yield
        }) : () -> ()
        %add3A_63 = arith.constant 2 : i32
        %add3A_64 = arith.addi %mul3A_48, %add3A_63 : i32
        %min3A = arith.constant 39 : i32
        %min3A_65 = arith.minsi %add3A_64, %min3A : i32
        %dma_start3A_66 = arith.constant 0 : i32
        %dma_start3A_67 = tpu.memref_slice %arg8[%min3A_65, %dma_start3A_66] : memref<40x128xi32, #tpu.memory_space<vmem>> -> memref<1x128xi32, #tpu.memory_space<vmem>>
        %dma_start3A_68 = tpu.memref_squeeze %dma_start3A_67 : memref<1x128xi32, #tpu.memory_space<vmem>> -> memref<128xi32, #tpu.memory_space<vmem>>
        %dma_start3A_69 = arith.constant 0 : i32
        %dma_start3A_70 = arith.constant 0 : i32
        %dma_start3A_71 = tpu.memref_slice %arg2[%dma_start3A_69, %dma_start3A_70] : memref<10008x128xf32, #tpu.memory_space<hbm>> -> memref<10008x128xf32, #tpu.memory_space<hbm>>
        tpu.enqueue_indirect_dma source(%dma_start3A_71 : memref<10008x128xf32, #tpu.memory_space<hbm>>) target(%arg10 : memref<128x128xf32, #tpu.memory_space<vmem>>) offsets(%dma_start3A_68 : memref<128xi32, #tpu.memory_space<vmem>>) semaphore(%arg13 : memref<!tpu.dma_semaphore, #tpu.memory_space<semaphore_mem>>)
        %dma_wait3A_72 = arith.constant 0 : i32
        %dma_wait3A_73 = arith.constant 0 : i32
        %dma_wait3A_74 = tpu.memref_slice %arg8[%dma_wait3A_72, %dma_wait3A_73] : memref<40x128xi32, #tpu.memory_space<vmem>> -> memref<1x128xi32, #tpu.memory_space<vmem>>
        %dma_wait3A_75 = tpu.memref_squeeze %dma_wait3A_74 : memref<1x128xi32, #tpu.memory_space<vmem>> -> memref<128xi32, #tpu.memory_space<vmem>>
        %dma_wait3A_76 = arith.constant 0 : i32
        %dma_wait3A_77 = arith.constant 0 : i32
        %dma_wait3A_78 = tpu.memref_slice %arg2[%dma_wait3A_76, %dma_wait3A_77] : memref<10008x128xf32, #tpu.memory_space<hbm>> -> memref<10008x128xf32, #tpu.memory_space<hbm>>
        tpu.wait_indirect_dma semaphore(%arg14 : memref<!tpu.dma_semaphore, #tpu.memory_space<semaphore_mem>>) src(%dma_wait3A_78 : memref<10008x128xf32, #tpu.memory_space<hbm>>) dst(%arg11 : memref<128x128xf32, #tpu.memory_space<vmem>>)
        %add3A_79 = arith.constant 1 : i32
        %add3A_80 = arith.addi %mul3A_48, %add3A_79 : i32
        "tpu.region"() ({
          %run_scoped3A_81 = tpu.sem_alloc : memref<!tpu.dma_semaphore, #tpu.memory_space<semaphore_mem>>
          %dma_start3A_82 = arith.constant 0 : i32
          %dma_start3A_83 = tpu.memref_slice %arg9[%add3A_80, %dma_start3A_82] : memref<40x128xi32, #tpu.memory_space<vmem>> -> memref<1x128xi32, #tpu.memory_space<vmem>>
          %dma_start3A_84 = tpu.memref_squeeze %dma_start3A_83 : memref<1x128xi32, #tpu.memory_space<vmem>> -> memref<128xi32, #tpu.memory_space<vmem>>
          %dma_start3A_85 = arith.constant 0 : i32
          %dma_start3A_86 = arith.constant 0 : i32
          %dma_start3A_87 = tpu.memref_slice %arg12[%dma_start3A_85, %dma_start3A_86] : memref<10112x128xf32, #tpu.memory_space<vmem_shared>> -> memref<10112x128xf32, #tpu.memory_space<vmem_shared>>
          tpu.enqueue_indirect_dma source(%arg11 : memref<128x128xf32, #tpu.memory_space<vmem>>) target(%dma_start3A_87 : memref<10112x128xf32, #tpu.memory_space<vmem_shared>>) offsets(%dma_start3A_84 : memref<128xi32, #tpu.memory_space<vmem>>) semaphore(%run_scoped3A_81 : memref<!tpu.dma_semaphore, #tpu.memory_space<semaphore_mem>>) {add = true}
          %dma_wait3A_88 = arith.constant 0 : i32
          %dma_wait3A_89 = tpu.memref_slice %arg9[%add3A_80, %dma_wait3A_88] : memref<40x128xi32, #tpu.memory_space<vmem>> -> memref<1x128xi32, #tpu.memory_space<vmem>>
          %dma_wait3A_90 = tpu.memref_squeeze %dma_wait3A_89 : memref<1x128xi32, #tpu.memory_space<vmem>> -> memref<128xi32, #tpu.memory_space<vmem>>
          %dma_wait3A_91 = arith.constant 0 : i32
          %dma_wait3A_92 = arith.constant 0 : i32
          %dma_wait3A_93 = tpu.memref_slice %arg12[%dma_wait3A_91, %dma_wait3A_92] : memref<10112x128xf32, #tpu.memory_space<vmem_shared>> -> memref<10112x128xf32, #tpu.memory_space<vmem_shared>>
          tpu.wait_indirect_dma semaphore(%run_scoped3A_81 : memref<!tpu.dma_semaphore, #tpu.memory_space<semaphore_mem>>) src(%arg11 : memref<128x128xf32, #tpu.memory_space<vmem>>) dst(%dma_wait3A_93 : memref<10112x128xf32, #tpu.memory_space<vmem_shared>>)
          tpu.yield
        }) : () -> ()
      }
      %scan3A_37 = arith.constant 20 : i32
      %dma_wait3A_38 = arith.constant 0 : i32
      %dma_wait3A_39 = arith.constant 0 : i32
      %dma_wait3A_40 = tpu.memref_slice %arg8[%dma_wait3A_38, %dma_wait3A_39] : memref<40x128xi32, #tpu.memory_space<vmem>> -> memref<1x128xi32, #tpu.memory_space<vmem>>
      %dma_wait3A_41 = tpu.memref_squeeze %dma_wait3A_40 : memref<1x128xi32, #tpu.memory_space<vmem>> -> memref<128xi32, #tpu.memory_space<vmem>>
      %dma_wait3A_42 = arith.constant 0 : i32
      %dma_wait3A_43 = arith.constant 0 : i32
      %dma_wait3A_44 = tpu.memref_slice %arg2[%dma_wait3A_42, %dma_wait3A_43] : memref<10008x128xf32, #tpu.memory_space<hbm>> -> memref<10008x128xf32, #tpu.memory_space<hbm>>
      tpu.wait_indirect_dma semaphore(%arg13 : memref<!tpu.dma_semaphore, #tpu.memory_space<semaphore_mem>>) src(%dma_wait3A_44 : memref<10008x128xf32, #tpu.memory_space<hbm>>) dst(%arg10 : memref<128x128xf32, #tpu.memory_space<vmem>>)
      %barrier3A_45 = arith.constant 0 : index
      tpu.barrier barrier_id(%barrier3A_45)
      %run_scoped3A = arith.constant 0 : i32
      "tpu.region"() ({
        %run_scoped3A_46 = tpu.sem_alloc : memref<!tpu.dma_semaphore, #tpu.memory_space<semaphore_mem>>
        %dma_start3A_47 = arith.constant 0 : i32
        %dma_start3A_48 = arith.constant 0 : i32
        %dma_start3A_49 = tpu.memref_slice %arg7[%run_scoped3A, %dma_start3A_47, %dma_start3A_48] : memref<2x10112x128xf32, #tpu.memory_space<hbm>> -> memref<1x10112x128xf32, #tpu.memory_space<hbm>>
        %dma_start3A_50 = tpu.memref_squeeze %dma_start3A_49 : memref<1x10112x128xf32, #tpu.memory_space<hbm>> -> memref<10112x128xf32, #tpu.memory_space<hbm>>
        %dma_start3A_51 = arith.constant 0 : i32
        %dma_start3A_52 = tpu.memref_slice %dma_start3A_50[%mul3A_7, %dma_start3A_51] : memref<10112x128xf32, #tpu.memory_space<hbm>> -> memref<632x128xf32, #tpu.memory_space<hbm>>
        %dma_start3A_53 = arith.constant 0 : i32
        %dma_start3A_54 = tpu.memref_slice %arg12[%mul3A_7, %dma_start3A_53] : memref<10112x128xf32, #tpu.memory_space<vmem_shared>> -> memref<632x128xf32, #tpu.memory_space<vmem_shared>>
        tpu.enqueue_dma source(%dma_start3A_54 : memref<632x128xf32, #tpu.memory_space<vmem_shared>>) target(%dma_start3A_52 : memref<632x128xf32, #tpu.memory_space<hbm>>) target_semaphore(%run_scoped3A_46 : memref<!tpu.dma_semaphore, #tpu.memory_space<semaphore_mem>>)
        %dma_wait3A_55 = arith.constant 0 : i32
        %dma_wait3A_56 = arith.constant 0 : i32
        %dma_wait3A_57 = tpu.memref_slice %arg7[%run_scoped3A, %dma_wait3A_55, %dma_wait3A_56] : memref<2x10112x128xf32, #tpu.memory_space<hbm>> -> memref<1x10112x128xf32, #tpu.memory_space<hbm>>
        %dma_wait3A_58 = tpu.memref_squeeze %dma_wait3A_57 : memref<1x10112x128xf32, #tpu.memory_space<hbm>> -> memref<10112x128xf32, #tpu.memory_space<hbm>>
        %dma_wait3A_59 = arith.constant 0 : i32
        %dma_wait3A_60 = tpu.memref_slice %dma_wait3A_58[%mul3A_7, %dma_wait3A_59] : memref<10112x128xf32, #tpu.memory_space<hbm>> -> memref<632x128xf32, #tpu.memory_space<hbm>>
        %dma_wait3A_61 = arith.constant 0 : i32
        %dma_wait3A_62 = tpu.memref_slice %arg12[%mul3A_7, %dma_wait3A_61] : memref<10112x128xf32, #tpu.memory_space<vmem_shared>> -> memref<632x128xf32, #tpu.memory_space<vmem_shared>>
        tpu.wait_dma2 semaphore(%run_scoped3A_46 : memref<!tpu.dma_semaphore, #tpu.memory_space<semaphore_mem>>) src(%dma_wait3A_62 : memref<632x128xf32, #tpu.memory_space<vmem_shared>>) dst(%dma_wait3A_60 : memref<632x128xf32, #tpu.memory_space<hbm>>)
        tpu.yield
      }) : () -> ()
    } else {
    }
    %eq3A_2 = arith.constant 1 : i32
    %eq3A_3 = arith.cmpi eq, %arg0, %eq3A_2 : i32
    %convert_element_type3A_4 = arith.extui %eq3A_3 : i1 to i32
    %cond3A_5 = arith.constant 0 : i32
    %cond3A_6 = arith.cmpi ne, %convert_element_type3A_4, %cond3A_5 : i32
    scf.if %cond3A_6 {
      %mul3A = arith.constant 632 : i32
      %mul3A_7 = arith.muli %arg1, %mul3A : i32
      "tpu.region"() ({
        %run_scoped3A_46 = tpu.sem_alloc : memref<!tpu.dma_semaphore, #tpu.memory_space<semaphore_mem>>
        %dma_start3A_47 = arith.constant 0 : i32
        %dma_start3A_48 = tpu.memref_slice %arg12[%mul3A_7, %dma_start3A_47] : memref<10112x128xf32, #tpu.memory_space<vmem_shared>> -> memref<632x128xf32, #tpu.memory_space<vmem_shared>>
        %dma_start3A_49 = arith.constant 0 : i32
        %dma_start3A_50 = tpu.memref_slice %arg6[%mul3A_7, %dma_start3A_49] : memref<10112x128xf32, #tpu.memory_space<hbm>> -> memref<632x128xf32, #tpu.memory_space<hbm>>
        tpu.enqueue_dma source(%dma_start3A_50 : memref<632x128xf32, #tpu.memory_space<hbm>>) target(%dma_start3A_48 : memref<632x128xf32, #tpu.memory_space<vmem_shared>>) target_semaphore(%run_scoped3A_46 : memref<!tpu.dma_semaphore, #tpu.memory_space<semaphore_mem>>)
        %dma_wait3A_51 = arith.constant 0 : i32
        %dma_wait3A_52 = tpu.memref_slice %arg12[%mul3A_7, %dma_wait3A_51] : memref<10112x128xf32, #tpu.memory_space<vmem_shared>> -> memref<632x128xf32, #tpu.memory_space<vmem_shared>>
        %dma_wait3A_53 = arith.constant 0 : i32
        %dma_wait3A_54 = tpu.memref_slice %arg6[%mul3A_7, %dma_wait3A_53] : memref<10112x128xf32, #tpu.memory_space<hbm>> -> memref<632x128xf32, #tpu.memory_space<hbm>>
        tpu.wait_dma2 semaphore(%run_scoped3A_46 : memref<!tpu.dma_semaphore, #tpu.memory_space<semaphore_mem>>) src(%dma_wait3A_54 : memref<632x128xf32, #tpu.memory_space<hbm>>) dst(%dma_wait3A_52 : memref<632x128xf32, #tpu.memory_space<vmem_shared>>)
        tpu.yield
      }) : () -> ()
      %barrier3A = arith.constant 0 : index
      tpu.barrier barrier_id(%barrier3A)
      "tpu.region"() ({
        %run_scoped3A_46 = tpu.sem_alloc : memref<!tpu.dma_semaphore, #tpu.memory_space<semaphore_mem>>
        %dma_start3A_47 = arith.constant 0 : i32
        %dma_start3A_48 = arith.constant 0 : i32
        %dma_start3A_49 = tpu.memref_slice %arg4[%arg1, %dma_start3A_47, %dma_start3A_48] : memref<16x80x128xi32, #tpu.memory_space<hbm>> -> memref<1x40x128xi32, #tpu.memory_space<hbm>>
        %dma_start3A_50 = tpu.memref_squeeze %dma_start3A_49 : memref<1x40x128xi32, #tpu.memory_space<hbm>> -> memref<40x128xi32, #tpu.memory_space<hbm>>
        %dma_start3A_51 = arith.constant 0 : i32
        %dma_start3A_52 = arith.constant 0 : i32
        %dma_start3A_53 = tpu.memref_slice %arg4[%arg1, %dma_start3A_51, %dma_start3A_52] : memref<16x80x128xi32, #tpu.memory_space<hbm>> -> memref<1x40x128xi32, #tpu.memory_space<hbm>>
        %dma_start3A_54 = tpu.memref_squeeze %dma_start3A_53 : memref<1x40x128xi32, #tpu.memory_space<hbm>> -> memref<40x128xi32, #tpu.memory_space<hbm>>
        tpu.enqueue_dma source(%dma_start3A_54 : memref<40x128xi32, #tpu.memory_space<hbm>>) target(%arg8 : memref<40x128xi32, #tpu.memory_space<vmem>>) target_semaphore(%run_scoped3A_46 : memref<!tpu.dma_semaphore, #tpu.memory_space<semaphore_mem>>)
        %dma_wait3A_55 = arith.constant 0 : i32
        %dma_wait3A_56 = arith.constant 0 : i32
        %dma_wait3A_57 = tpu.memref_slice %arg4[%arg1, %dma_wait3A_55, %dma_wait3A_56] : memref<16x80x128xi32, #tpu.memory_space<hbm>> -> memref<1x40x128xi32, #tpu.memory_space<hbm>>
        %dma_wait3A_58 = tpu.memref_squeeze %dma_wait3A_57 : memref<1x40x128xi32, #tpu.memory_space<hbm>> -> memref<40x128xi32, #tpu.memory_space<hbm>>
        %dma_wait3A_59 = arith.constant 0 : i32
        %dma_wait3A_60 = arith.constant 0 : i32
        %dma_wait3A_61 = tpu.memref_slice %arg4[%arg1, %dma_wait3A_59, %dma_wait3A_60] : memref<16x80x128xi32, #tpu.memory_space<hbm>> -> memref<1x40x128xi32, #tpu.memory_space<hbm>>
        %dma_wait3A_62 = tpu.memref_squeeze %dma_wait3A_61 : memref<1x40x128xi32, #tpu.memory_space<hbm>> -> memref<40x128xi32, #tpu.memory_space<hbm>>
        tpu.wait_dma2 semaphore(%run_scoped3A_46 : memref<!tpu.dma_semaphore, #tpu.memory_space<semaphore_mem>>) src(%dma_wait3A_62 : memref<40x128xi32, #tpu.memory_space<hbm>>) dst(%arg8 : memref<40x128xi32, #tpu.memory_space<vmem>>)
        tpu.yield
      }) : () -> ()
      "tpu.region"() ({
        %run_scoped3A_46 = tpu.sem_alloc : memref<!tpu.dma_semaphore, #tpu.memory_space<semaphore_mem>>
        %dma_start3A_47 = arith.constant 0 : i32
        %dma_start3A_48 = arith.constant 0 : i32
        %dma_start3A_49 = tpu.memref_slice %arg5[%arg1, %dma_start3A_47, %dma_start3A_48] : memref<16x80x128xi32, #tpu.memory_space<hbm>> -> memref<1x40x128xi32, #tpu.memory_space<hbm>>
        %dma_start3A_50 = tpu.memref_squeeze %dma_start3A_49 : memref<1x40x128xi32, #tpu.memory_space<hbm>> -> memref<40x128xi32, #tpu.memory_space<hbm>>
        %dma_start3A_51 = arith.constant 0 : i32
        %dma_start3A_52 = arith.constant 0 : i32
        %dma_start3A_53 = tpu.memref_slice %arg5[%arg1, %dma_start3A_51, %dma_start3A_52] : memref<16x80x128xi32, #tpu.memory_space<hbm>> -> memref<1x40x128xi32, #tpu.memory_space<hbm>>
        %dma_start3A_54 = tpu.memref_squeeze %dma_start3A_53 : memref<1x40x128xi32, #tpu.memory_space<hbm>> -> memref<40x128xi32, #tpu.memory_space<hbm>>
        tpu.enqueue_dma source(%dma_start3A_54 : memref<40x128xi32, #tpu.memory_space<hbm>>) target(%arg9 : memref<40x128xi32, #tpu.memory_space<vmem>>) target_semaphore(%run_scoped3A_46 : memref<!tpu.dma_semaphore, #tpu.memory_space<semaphore_mem>>)
        %dma_wait3A_55 = arith.constant 0 : i32
        %dma_wait3A_56 = arith.constant 0 : i32
        %dma_wait3A_57 = tpu.memref_slice %arg5[%arg1, %dma_wait3A_55, %dma_wait3A_56] : memref<16x80x128xi32, #tpu.memory_space<hbm>> -> memref<1x40x128xi32, #tpu.memory_space<hbm>>
        %dma_wait3A_58 = tpu.memref_squeeze %dma_wait3A_57 : memref<1x40x128xi32, #tpu.memory_space<hbm>> -> memref<40x128xi32, #tpu.memory_space<hbm>>
        %dma_wait3A_59 = arith.constant 0 : i32
        %dma_wait3A_60 = arith.constant 0 : i32
        %dma_wait3A_61 = tpu.memref_slice %arg5[%arg1, %dma_wait3A_59, %dma_wait3A_60] : memref<16x80x128xi32, #tpu.memory_space<hbm>> -> memref<1x40x128xi32, #tpu.memory_space<hbm>>
        %dma_wait3A_62 = tpu.memref_squeeze %dma_wait3A_61 : memref<1x40x128xi32, #tpu.memory_space<hbm>> -> memref<40x128xi32, #tpu.memory_space<hbm>>
        tpu.wait_dma2 semaphore(%run_scoped3A_46 : memref<!tpu.dma_semaphore, #tpu.memory_space<semaphore_mem>>) src(%dma_wait3A_62 : memref<40x128xi32, #tpu.memory_space<hbm>>) dst(%arg9 : memref<40x128xi32, #tpu.memory_space<vmem>>)
        tpu.yield
      }) : () -> ()
      %dma_start3A = arith.constant 0 : i32
      %dma_start3A_8 = arith.constant 0 : i32
      %dma_start3A_9 = tpu.memref_slice %arg8[%dma_start3A, %dma_start3A_8] : memref<40x128xi32, #tpu.memory_space<vmem>> -> memref<1x128xi32, #tpu.memory_space<vmem>>
      %dma_start3A_10 = tpu.memref_squeeze %dma_start3A_9 : memref<1x128xi32, #tpu.memory_space<vmem>> -> memref<128xi32, #tpu.memory_space<vmem>>
      %dma_start3A_11 = arith.constant 0 : i32
      %dma_start3A_12 = arith.constant 0 : i32
      %dma_start3A_13 = tpu.memref_slice %arg3[%dma_start3A_11, %dma_start3A_12] : memref<10008x128xf32, #tpu.memory_space<hbm>> -> memref<10008x128xf32, #tpu.memory_space<hbm>>
      tpu.enqueue_indirect_dma source(%dma_start3A_13 : memref<10008x128xf32, #tpu.memory_space<hbm>>) target(%arg10 : memref<128x128xf32, #tpu.memory_space<vmem>>) offsets(%dma_start3A_10 : memref<128xi32, #tpu.memory_space<vmem>>) semaphore(%arg13 : memref<!tpu.dma_semaphore, #tpu.memory_space<semaphore_mem>>)
      %scan3A = arith.constant 0 : i32
      %scan3A_14 = arith.constant 0 : i32
      %scan3A_15 = arith.constant 20 : i32
      %scan3A_16 = arith.addi %scan3A_14, %scan3A_15 : i32
      %scan3A_17 = arith.constant 1 : i32
      scf.for %scan3A_46 = %scan3A_14 to %scan3A_16 step %scan3A_17  : i32 {
        %mul3A_47 = arith.constant 2 : i32
        %mul3A_48 = arith.muli %mul3A_47, %scan3A_46 : i32
        %add3A = arith.constant 1 : i32
        %add3A_49 = arith.addi %mul3A_48, %add3A : i32
        %dma_start3A_50 = arith.constant 0 : i32
        %dma_start3A_51 = tpu.memref_slice %arg8[%add3A_49, %dma_start3A_50] : memref<40x128xi32, #tpu.memory_space<vmem>> -> memref<1x128xi32, #tpu.memory_space<vmem>>
        %dma_start3A_52 = tpu.memref_squeeze %dma_start3A_51 : memref<1x128xi32, #tpu.memory_space<vmem>> -> memref<128xi32, #tpu.memory_space<vmem>>
        %dma_start3A_53 = arith.constant 0 : i32
        %dma_start3A_54 = arith.constant 0 : i32
        %dma_start3A_55 = tpu.memref_slice %arg3[%dma_start3A_53, %dma_start3A_54] : memref<10008x128xf32, #tpu.memory_space<hbm>> -> memref<10008x128xf32, #tpu.memory_space<hbm>>
        tpu.enqueue_indirect_dma source(%dma_start3A_55 : memref<10008x128xf32, #tpu.memory_space<hbm>>) target(%arg11 : memref<128x128xf32, #tpu.memory_space<vmem>>) offsets(%dma_start3A_52 : memref<128xi32, #tpu.memory_space<vmem>>) semaphore(%arg14 : memref<!tpu.dma_semaphore, #tpu.memory_space<semaphore_mem>>)
        %dma_wait3A_56 = arith.constant 0 : i32
        %dma_wait3A_57 = arith.constant 0 : i32
        %dma_wait3A_58 = tpu.memref_slice %arg8[%dma_wait3A_56, %dma_wait3A_57] : memref<40x128xi32, #tpu.memory_space<vmem>> -> memref<1x128xi32, #tpu.memory_space<vmem>>
        %dma_wait3A_59 = tpu.memref_squeeze %dma_wait3A_58 : memref<1x128xi32, #tpu.memory_space<vmem>> -> memref<128xi32, #tpu.memory_space<vmem>>
        %dma_wait3A_60 = arith.constant 0 : i32
        %dma_wait3A_61 = arith.constant 0 : i32
        %dma_wait3A_62 = tpu.memref_slice %arg3[%dma_wait3A_60, %dma_wait3A_61] : memref<10008x128xf32, #tpu.memory_space<hbm>> -> memref<10008x128xf32, #tpu.memory_space<hbm>>
        tpu.wait_indirect_dma semaphore(%arg13 : memref<!tpu.dma_semaphore, #tpu.memory_space<semaphore_mem>>) src(%dma_wait3A_62 : memref<10008x128xf32, #tpu.memory_space<hbm>>) dst(%arg10 : memref<128x128xf32, #tpu.memory_space<vmem>>)
        "tpu.region"() ({
          %run_scoped3A_81 = tpu.sem_alloc : memref<!tpu.dma_semaphore, #tpu.memory_space<semaphore_mem>>
          %dma_start3A_82 = arith.constant 0 : i32
          %dma_start3A_83 = tpu.memref_slice %arg9[%mul3A_48, %dma_start3A_82] : memref<40x128xi32, #tpu.memory_space<vmem>> -> memref<1x128xi32, #tpu.memory_space<vmem>>
          %dma_start3A_84 = tpu.memref_squeeze %dma_start3A_83 : memref<1x128xi32, #tpu.memory_space<vmem>> -> memref<128xi32, #tpu.memory_space<vmem>>
          %dma_start3A_85 = arith.constant 0 : i32
          %dma_start3A_86 = arith.constant 0 : i32
          %dma_start3A_87 = tpu.memref_slice %arg12[%dma_start3A_85, %dma_start3A_86] : memref<10112x128xf32, #tpu.memory_space<vmem_shared>> -> memref<10112x128xf32, #tpu.memory_space<vmem_shared>>
          tpu.enqueue_indirect_dma source(%arg10 : memref<128x128xf32, #tpu.memory_space<vmem>>) target(%dma_start3A_87 : memref<10112x128xf32, #tpu.memory_space<vmem_shared>>) offsets(%dma_start3A_84 : memref<128xi32, #tpu.memory_space<vmem>>) semaphore(%run_scoped3A_81 : memref<!tpu.dma_semaphore, #tpu.memory_space<semaphore_mem>>) {add = true}
          %dma_wait3A_88 = arith.constant 0 : i32
          %dma_wait3A_89 = tpu.memref_slice %arg9[%mul3A_48, %dma_wait3A_88] : memref<40x128xi32, #tpu.memory_space<vmem>> -> memref<1x128xi32, #tpu.memory_space<vmem>>
          %dma_wait3A_90 = tpu.memref_squeeze %dma_wait3A_89 : memref<1x128xi32, #tpu.memory_space<vmem>> -> memref<128xi32, #tpu.memory_space<vmem>>
          %dma_wait3A_91 = arith.constant 0 : i32
          %dma_wait3A_92 = arith.constant 0 : i32
          %dma_wait3A_93 = tpu.memref_slice %arg12[%dma_wait3A_91, %dma_wait3A_92] : memref<10112x128xf32, #tpu.memory_space<vmem_shared>> -> memref<10112x128xf32, #tpu.memory_space<vmem_shared>>
          tpu.wait_indirect_dma semaphore(%run_scoped3A_81 : memref<!tpu.dma_semaphore, #tpu.memory_space<semaphore_mem>>) src(%arg10 : memref<128x128xf32, #tpu.memory_space<vmem>>) dst(%dma_wait3A_93 : memref<10112x128xf32, #tpu.memory_space<vmem_shared>>)
          tpu.yield
        }) : () -> ()
        %add3A_63 = arith.constant 2 : i32
        %add3A_64 = arith.addi %mul3A_48, %add3A_63 : i32
        %min3A = arith.constant 39 : i32
        %min3A_65 = arith.minsi %add3A_64, %min3A : i32
        %dma_start3A_66 = arith.constant 0 : i32
        %dma_start3A_67 = tpu.memref_slice %arg8[%min3A_65, %dma_start3A_66] : memref<40x128xi32, #tpu.memory_space<vmem>> -> memref<1x128xi32, #tpu.memory_space<vmem>>
        %dma_start3A_68 = tpu.memref_squeeze %dma_start3A_67 : memref<1x128xi32, #tpu.memory_space<vmem>> -> memref<128xi32, #tpu.memory_space<vmem>>
        %dma_start3A_69 = arith.constant 0 : i32
        %dma_start3A_70 = arith.constant 0 : i32
        %dma_start3A_71 = tpu.memref_slice %arg3[%dma_start3A_69, %dma_start3A_70] : memref<10008x128xf32, #tpu.memory_space<hbm>> -> memref<10008x128xf32, #tpu.memory_space<hbm>>
        tpu.enqueue_indirect_dma source(%dma_start3A_71 : memref<10008x128xf32, #tpu.memory_space<hbm>>) target(%arg10 : memref<128x128xf32, #tpu.memory_space<vmem>>) offsets(%dma_start3A_68 : memref<128xi32, #tpu.memory_space<vmem>>) semaphore(%arg13 : memref<!tpu.dma_semaphore, #tpu.memory_space<semaphore_mem>>)
        %dma_wait3A_72 = arith.constant 0 : i32
        %dma_wait3A_73 = arith.constant 0 : i32
        %dma_wait3A_74 = tpu.memref_slice %arg8[%dma_wait3A_72, %dma_wait3A_73] : memref<40x128xi32, #tpu.memory_space<vmem>> -> memref<1x128xi32, #tpu.memory_space<vmem>>
        %dma_wait3A_75 = tpu.memref_squeeze %dma_wait3A_74 : memref<1x128xi32, #tpu.memory_space<vmem>> -> memref<128xi32, #tpu.memory_space<vmem>>
        %dma_wait3A_76 = arith.constant 0 : i32
        %dma_wait3A_77 = arith.constant 0 : i32
        %dma_wait3A_78 = tpu.memref_slice %arg3[%dma_wait3A_76, %dma_wait3A_77] : memref<10008x128xf32, #tpu.memory_space<hbm>> -> memref<10008x128xf32, #tpu.memory_space<hbm>>
        tpu.wait_indirect_dma semaphore(%arg14 : memref<!tpu.dma_semaphore, #tpu.memory_space<semaphore_mem>>) src(%dma_wait3A_78 : memref<10008x128xf32, #tpu.memory_space<hbm>>) dst(%arg11 : memref<128x128xf32, #tpu.memory_space<vmem>>)
        %add3A_79 = arith.constant 1 : i32
        %add3A_80 = arith.addi %mul3A_48, %add3A_79 : i32
        "tpu.region"() ({
          %run_scoped3A_81 = tpu.sem_alloc : memref<!tpu.dma_semaphore, #tpu.memory_space<semaphore_mem>>
          %dma_start3A_82 = arith.constant 0 : i32
          %dma_start3A_83 = tpu.memref_slice %arg9[%add3A_80, %dma_start3A_82] : memref<40x128xi32, #tpu.memory_space<vmem>> -> memref<1x128xi32, #tpu.memory_space<vmem>>
          %dma_start3A_84 = tpu.memref_squeeze %dma_start3A_83 : memref<1x128xi32, #tpu.memory_space<vmem>> -> memref<128xi32, #tpu.memory_space<vmem>>
          %dma_start3A_85 = arith.constant 0 : i32
          %dma_start3A_86 = arith.constant 0 : i32
          %dma_start3A_87 = tpu.memref_slice %arg12[%dma_start3A_85, %dma_start3A_86] : memref<10112x128xf32, #tpu.memory_space<vmem_shared>> -> memref<10112x128xf32, #tpu.memory_space<vmem_shared>>
          tpu.enqueue_indirect_dma source(%arg11 : memref<128x128xf32, #tpu.memory_space<vmem>>) target(%dma_start3A_87 : memref<10112x128xf32, #tpu.memory_space<vmem_shared>>) offsets(%dma_start3A_84 : memref<128xi32, #tpu.memory_space<vmem>>) semaphore(%run_scoped3A_81 : memref<!tpu.dma_semaphore, #tpu.memory_space<semaphore_mem>>) {add = true}
          %dma_wait3A_88 = arith.constant 0 : i32
          %dma_wait3A_89 = tpu.memref_slice %arg9[%add3A_80, %dma_wait3A_88] : memref<40x128xi32, #tpu.memory_space<vmem>> -> memref<1x128xi32, #tpu.memory_space<vmem>>
          %dma_wait3A_90 = tpu.memref_squeeze %dma_wait3A_89 : memref<1x128xi32, #tpu.memory_space<vmem>> -> memref<128xi32, #tpu.memory_space<vmem>>
          %dma_wait3A_91 = arith.constant 0 : i32
          %dma_wait3A_92 = arith.constant 0 : i32
          %dma_wait3A_93 = tpu.memref_slice %arg12[%dma_wait3A_91, %dma_wait3A_92] : memref<10112x128xf32, #tpu.memory_space<vmem_shared>> -> memref<10112x128xf32, #tpu.memory_space<vmem_shared>>
          tpu.wait_indirect_dma semaphore(%run_scoped3A_81 : memref<!tpu.dma_semaphore, #tpu.memory_space<semaphore_mem>>) src(%arg11 : memref<128x128xf32, #tpu.memory_space<vmem>>) dst(%dma_wait3A_93 : memref<10112x128xf32, #tpu.memory_space<vmem_shared>>)
          tpu.yield
        }) : () -> ()
      }
      %scan3A_18 = arith.constant 20 : i32
      %dma_wait3A = arith.constant 0 : i32
      %dma_wait3A_19 = arith.constant 0 : i32
      %dma_wait3A_20 = tpu.memref_slice %arg8[%dma_wait3A, %dma_wait3A_19] : memref<40x128xi32, #tpu.memory_space<vmem>> -> memref<1x128xi32, #tpu.memory_space<vmem>>
      %dma_wait3A_21 = tpu.memref_squeeze %dma_wait3A_20 : memref<1x128xi32, #tpu.memory_space<vmem>> -> memref<128xi32, #tpu.memory_space<vmem>>
      %dma_wait3A_22 = arith.constant 0 : i32
      %dma_wait3A_23 = arith.constant 0 : i32
      %dma_wait3A_24 = tpu.memref_slice %arg3[%dma_wait3A_22, %dma_wait3A_23] : memref<10008x128xf32, #tpu.memory_space<hbm>> -> memref<10008x128xf32, #tpu.memory_space<hbm>>
      tpu.wait_indirect_dma semaphore(%arg13 : memref<!tpu.dma_semaphore, #tpu.memory_space<semaphore_mem>>) src(%dma_wait3A_24 : memref<10008x128xf32, #tpu.memory_space<hbm>>) dst(%arg10 : memref<128x128xf32, #tpu.memory_space<vmem>>)
      "tpu.region"() ({
        %run_scoped3A_46 = tpu.sem_alloc : memref<!tpu.dma_semaphore, #tpu.memory_space<semaphore_mem>>
        %dma_start3A_47 = arith.constant 40 : i32
        %dma_start3A_48 = arith.constant 0 : i32
        %dma_start3A_49 = tpu.memref_slice %arg4[%arg1, %dma_start3A_47, %dma_start3A_48] : memref<16x80x128xi32, #tpu.memory_space<hbm>> -> memref<1x40x128xi32, #tpu.memory_space<hbm>>
        %dma_start3A_50 = tpu.memref_squeeze %dma_start3A_49 : memref<1x40x128xi32, #tpu.memory_space<hbm>> -> memref<40x128xi32, #tpu.memory_space<hbm>>
        %dma_start3A_51 = arith.constant 40 : i32
        %dma_start3A_52 = arith.constant 0 : i32
        %dma_start3A_53 = tpu.memref_slice %arg4[%arg1, %dma_start3A_51, %dma_start3A_52] : memref<16x80x128xi32, #tpu.memory_space<hbm>> -> memref<1x40x128xi32, #tpu.memory_space<hbm>>
        %dma_start3A_54 = tpu.memref_squeeze %dma_start3A_53 : memref<1x40x128xi32, #tpu.memory_space<hbm>> -> memref<40x128xi32, #tpu.memory_space<hbm>>
        tpu.enqueue_dma source(%dma_start3A_54 : memref<40x128xi32, #tpu.memory_space<hbm>>) target(%arg8 : memref<40x128xi32, #tpu.memory_space<vmem>>) target_semaphore(%run_scoped3A_46 : memref<!tpu.dma_semaphore, #tpu.memory_space<semaphore_mem>>)
        %dma_wait3A_55 = arith.constant 40 : i32
        %dma_wait3A_56 = arith.constant 0 : i32
        %dma_wait3A_57 = tpu.memref_slice %arg4[%arg1, %dma_wait3A_55, %dma_wait3A_56] : memref<16x80x128xi32, #tpu.memory_space<hbm>> -> memref<1x40x128xi32, #tpu.memory_space<hbm>>
        %dma_wait3A_58 = tpu.memref_squeeze %dma_wait3A_57 : memref<1x40x128xi32, #tpu.memory_space<hbm>> -> memref<40x128xi32, #tpu.memory_space<hbm>>
        %dma_wait3A_59 = arith.constant 40 : i32
        %dma_wait3A_60 = arith.constant 0 : i32
        %dma_wait3A_61 = tpu.memref_slice %arg4[%arg1, %dma_wait3A_59, %dma_wait3A_60] : memref<16x80x128xi32, #tpu.memory_space<hbm>> -> memref<1x40x128xi32, #tpu.memory_space<hbm>>
        %dma_wait3A_62 = tpu.memref_squeeze %dma_wait3A_61 : memref<1x40x128xi32, #tpu.memory_space<hbm>> -> memref<40x128xi32, #tpu.memory_space<hbm>>
        tpu.wait_dma2 semaphore(%run_scoped3A_46 : memref<!tpu.dma_semaphore, #tpu.memory_space<semaphore_mem>>) src(%dma_wait3A_62 : memref<40x128xi32, #tpu.memory_space<hbm>>) dst(%arg8 : memref<40x128xi32, #tpu.memory_space<vmem>>)
        tpu.yield
      }) : () -> ()
      "tpu.region"() ({
        %run_scoped3A_46 = tpu.sem_alloc : memref<!tpu.dma_semaphore, #tpu.memory_space<semaphore_mem>>
        %dma_start3A_47 = arith.constant 40 : i32
        %dma_start3A_48 = arith.constant 0 : i32
        %dma_start3A_49 = tpu.memref_slice %arg5[%arg1, %dma_start3A_47, %dma_start3A_48] : memref<16x80x128xi32, #tpu.memory_space<hbm>> -> memref<1x40x128xi32, #tpu.memory_space<hbm>>
        %dma_start3A_50 = tpu.memref_squeeze %dma_start3A_49 : memref<1x40x128xi32, #tpu.memory_space<hbm>> -> memref<40x128xi32, #tpu.memory_space<hbm>>
        %dma_start3A_51 = arith.constant 40 : i32
        %dma_start3A_52 = arith.constant 0 : i32
        %dma_start3A_53 = tpu.memref_slice %arg5[%arg1, %dma_start3A_51, %dma_start3A_52] : memref<16x80x128xi32, #tpu.memory_space<hbm>> -> memref<1x40x128xi32, #tpu.memory_space<hbm>>
        %dma_start3A_54 = tpu.memref_squeeze %dma_start3A_53 : memref<1x40x128xi32, #tpu.memory_space<hbm>> -> memref<40x128xi32, #tpu.memory_space<hbm>>
        tpu.enqueue_dma source(%dma_start3A_54 : memref<40x128xi32, #tpu.memory_space<hbm>>) target(%arg9 : memref<40x128xi32, #tpu.memory_space<vmem>>) target_semaphore(%run_scoped3A_46 : memref<!tpu.dma_semaphore, #tpu.memory_space<semaphore_mem>>)
        %dma_wait3A_55 = arith.constant 40 : i32
        %dma_wait3A_56 = arith.constant 0 : i32
        %dma_wait3A_57 = tpu.memref_slice %arg5[%arg1, %dma_wait3A_55, %dma_wait3A_56] : memref<16x80x128xi32, #tpu.memory_space<hbm>> -> memref<1x40x128xi32, #tpu.memory_space<hbm>>
        %dma_wait3A_58 = tpu.memref_squeeze %dma_wait3A_57 : memref<1x40x128xi32, #tpu.memory_space<hbm>> -> memref<40x128xi32, #tpu.memory_space<hbm>>
        %dma_wait3A_59 = arith.constant 40 : i32
        %dma_wait3A_60 = arith.constant 0 : i32
        %dma_wait3A_61 = tpu.memref_slice %arg5[%arg1, %dma_wait3A_59, %dma_wait3A_60] : memref<16x80x128xi32, #tpu.memory_space<hbm>> -> memref<1x40x128xi32, #tpu.memory_space<hbm>>
        %dma_wait3A_62 = tpu.memref_squeeze %dma_wait3A_61 : memref<1x40x128xi32, #tpu.memory_space<hbm>> -> memref<40x128xi32, #tpu.memory_space<hbm>>
        tpu.wait_dma2 semaphore(%run_scoped3A_46 : memref<!tpu.dma_semaphore, #tpu.memory_space<semaphore_mem>>) src(%dma_wait3A_62 : memref<40x128xi32, #tpu.memory_space<hbm>>) dst(%arg9 : memref<40x128xi32, #tpu.memory_space<vmem>>)
        tpu.yield
      }) : () -> ()
      %dma_start3A_25 = arith.constant 0 : i32
      %dma_start3A_26 = arith.constant 0 : i32
      %dma_start3A_27 = tpu.memref_slice %arg8[%dma_start3A_25, %dma_start3A_26] : memref<40x128xi32, #tpu.memory_space<vmem>> -> memref<1x128xi32, #tpu.memory_space<vmem>>
      %dma_start3A_28 = tpu.memref_squeeze %dma_start3A_27 : memref<1x128xi32, #tpu.memory_space<vmem>> -> memref<128xi32, #tpu.memory_space<vmem>>
      %dma_start3A_29 = arith.constant 0 : i32
      %dma_start3A_30 = arith.constant 0 : i32
      %dma_start3A_31 = tpu.memref_slice %arg3[%dma_start3A_29, %dma_start3A_30] : memref<10008x128xf32, #tpu.memory_space<hbm>> -> memref<10008x128xf32, #tpu.memory_space<hbm>>
      tpu.enqueue_indirect_dma source(%dma_start3A_31 : memref<10008x128xf32, #tpu.memory_space<hbm>>) target(%arg10 : memref<128x128xf32, #tpu.memory_space<vmem>>) offsets(%dma_start3A_28 : memref<128xi32, #tpu.memory_space<vmem>>) semaphore(%arg13 : memref<!tpu.dma_semaphore, #tpu.memory_space<semaphore_mem>>)
      %scan3A_32 = arith.constant 0 : i32
      %scan3A_33 = arith.constant 0 : i32
      %scan3A_34 = arith.constant 20 : i32
      %scan3A_35 = arith.addi %scan3A_33, %scan3A_34 : i32
      %scan3A_36 = arith.constant 1 : i32
      scf.for %scan3A_46 = %scan3A_33 to %scan3A_35 step %scan3A_36  : i32 {
        %mul3A_47 = arith.constant 2 : i32
        %mul3A_48 = arith.muli %mul3A_47, %scan3A_46 : i32
        %add3A = arith.constant 1 : i32
        %add3A_49 = arith.addi %mul3A_48, %add3A : i32
        %dma_start3A_50 = arith.constant 0 : i32
        %dma_start3A_51 = tpu.memref_slice %arg8[%add3A_49, %dma_start3A_50] : memref<40x128xi32, #tpu.memory_space<vmem>> -> memref<1x128xi32, #tpu.memory_space<vmem>>
        %dma_start3A_52 = tpu.memref_squeeze %dma_start3A_51 : memref<1x128xi32, #tpu.memory_space<vmem>> -> memref<128xi32, #tpu.memory_space<vmem>>
        %dma_start3A_53 = arith.constant 0 : i32
        %dma_start3A_54 = arith.constant 0 : i32
        %dma_start3A_55 = tpu.memref_slice %arg3[%dma_start3A_53, %dma_start3A_54] : memref<10008x128xf32, #tpu.memory_space<hbm>> -> memref<10008x128xf32, #tpu.memory_space<hbm>>
        tpu.enqueue_indirect_dma source(%dma_start3A_55 : memref<10008x128xf32, #tpu.memory_space<hbm>>) target(%arg11 : memref<128x128xf32, #tpu.memory_space<vmem>>) offsets(%dma_start3A_52 : memref<128xi32, #tpu.memory_space<vmem>>) semaphore(%arg14 : memref<!tpu.dma_semaphore, #tpu.memory_space<semaphore_mem>>)
        %dma_wait3A_56 = arith.constant 0 : i32
        %dma_wait3A_57 = arith.constant 0 : i32
        %dma_wait3A_58 = tpu.memref_slice %arg8[%dma_wait3A_56, %dma_wait3A_57] : memref<40x128xi32, #tpu.memory_space<vmem>> -> memref<1x128xi32, #tpu.memory_space<vmem>>
        %dma_wait3A_59 = tpu.memref_squeeze %dma_wait3A_58 : memref<1x128xi32, #tpu.memory_space<vmem>> -> memref<128xi32, #tpu.memory_space<vmem>>
        %dma_wait3A_60 = arith.constant 0 : i32
        %dma_wait3A_61 = arith.constant 0 : i32
        %dma_wait3A_62 = tpu.memref_slice %arg3[%dma_wait3A_60, %dma_wait3A_61] : memref<10008x128xf32, #tpu.memory_space<hbm>> -> memref<10008x128xf32, #tpu.memory_space<hbm>>
        tpu.wait_indirect_dma semaphore(%arg13 : memref<!tpu.dma_semaphore, #tpu.memory_space<semaphore_mem>>) src(%dma_wait3A_62 : memref<10008x128xf32, #tpu.memory_space<hbm>>) dst(%arg10 : memref<128x128xf32, #tpu.memory_space<vmem>>)
        "tpu.region"() ({
          %run_scoped3A_81 = tpu.sem_alloc : memref<!tpu.dma_semaphore, #tpu.memory_space<semaphore_mem>>
          %dma_start3A_82 = arith.constant 0 : i32
          %dma_start3A_83 = tpu.memref_slice %arg9[%mul3A_48, %dma_start3A_82] : memref<40x128xi32, #tpu.memory_space<vmem>> -> memref<1x128xi32, #tpu.memory_space<vmem>>
          %dma_start3A_84 = tpu.memref_squeeze %dma_start3A_83 : memref<1x128xi32, #tpu.memory_space<vmem>> -> memref<128xi32, #tpu.memory_space<vmem>>
          %dma_start3A_85 = arith.constant 0 : i32
          %dma_start3A_86 = arith.constant 0 : i32
          %dma_start3A_87 = tpu.memref_slice %arg12[%dma_start3A_85, %dma_start3A_86] : memref<10112x128xf32, #tpu.memory_space<vmem_shared>> -> memref<10112x128xf32, #tpu.memory_space<vmem_shared>>
          tpu.enqueue_indirect_dma source(%arg10 : memref<128x128xf32, #tpu.memory_space<vmem>>) target(%dma_start3A_87 : memref<10112x128xf32, #tpu.memory_space<vmem_shared>>) offsets(%dma_start3A_84 : memref<128xi32, #tpu.memory_space<vmem>>) semaphore(%run_scoped3A_81 : memref<!tpu.dma_semaphore, #tpu.memory_space<semaphore_mem>>) {add = true}
          %dma_wait3A_88 = arith.constant 0 : i32
          %dma_wait3A_89 = tpu.memref_slice %arg9[%mul3A_48, %dma_wait3A_88] : memref<40x128xi32, #tpu.memory_space<vmem>> -> memref<1x128xi32, #tpu.memory_space<vmem>>
          %dma_wait3A_90 = tpu.memref_squeeze %dma_wait3A_89 : memref<1x128xi32, #tpu.memory_space<vmem>> -> memref<128xi32, #tpu.memory_space<vmem>>
          %dma_wait3A_91 = arith.constant 0 : i32
          %dma_wait3A_92 = arith.constant 0 : i32
          %dma_wait3A_93 = tpu.memref_slice %arg12[%dma_wait3A_91, %dma_wait3A_92] : memref<10112x128xf32, #tpu.memory_space<vmem_shared>> -> memref<10112x128xf32, #tpu.memory_space<vmem_shared>>
          tpu.wait_indirect_dma semaphore(%run_scoped3A_81 : memref<!tpu.dma_semaphore, #tpu.memory_space<semaphore_mem>>) src(%arg10 : memref<128x128xf32, #tpu.memory_space<vmem>>) dst(%dma_wait3A_93 : memref<10112x128xf32, #tpu.memory_space<vmem_shared>>)
          tpu.yield
        }) : () -> ()
        %add3A_63 = arith.constant 2 : i32
        %add3A_64 = arith.addi %mul3A_48, %add3A_63 : i32
        %min3A = arith.constant 39 : i32
        %min3A_65 = arith.minsi %add3A_64, %min3A : i32
        %dma_start3A_66 = arith.constant 0 : i32
        %dma_start3A_67 = tpu.memref_slice %arg8[%min3A_65, %dma_start3A_66] : memref<40x128xi32, #tpu.memory_space<vmem>> -> memref<1x128xi32, #tpu.memory_space<vmem>>
        %dma_start3A_68 = tpu.memref_squeeze %dma_start3A_67 : memref<1x128xi32, #tpu.memory_space<vmem>> -> memref<128xi32, #tpu.memory_space<vmem>>
        %dma_start3A_69 = arith.constant 0 : i32
        %dma_start3A_70 = arith.constant 0 : i32
        %dma_start3A_71 = tpu.memref_slice %arg3[%dma_start3A_69, %dma_start3A_70] : memref<10008x128xf32, #tpu.memory_space<hbm>> -> memref<10008x128xf32, #tpu.memory_space<hbm>>
        tpu.enqueue_indirect_dma source(%dma_start3A_71 : memref<10008x128xf32, #tpu.memory_space<hbm>>) target(%arg10 : memref<128x128xf32, #tpu.memory_space<vmem>>) offsets(%dma_start3A_68 : memref<128xi32, #tpu.memory_space<vmem>>) semaphore(%arg13 : memref<!tpu.dma_semaphore, #tpu.memory_space<semaphore_mem>>)
        %dma_wait3A_72 = arith.constant 0 : i32
        %dma_wait3A_73 = arith.constant 0 : i32
        %dma_wait3A_74 = tpu.memref_slice %arg8[%dma_wait3A_72, %dma_wait3A_73] : memref<40x128xi32, #tpu.memory_space<vmem>> -> memref<1x128xi32, #tpu.memory_space<vmem>>
        %dma_wait3A_75 = tpu.memref_squeeze %dma_wait3A_74 : memref<1x128xi32, #tpu.memory_space<vmem>> -> memref<128xi32, #tpu.memory_space<vmem>>
        %dma_wait3A_76 = arith.constant 0 : i32
        %dma_wait3A_77 = arith.constant 0 : i32
        %dma_wait3A_78 = tpu.memref_slice %arg3[%dma_wait3A_76, %dma_wait3A_77] : memref<10008x128xf32, #tpu.memory_space<hbm>> -> memref<10008x128xf32, #tpu.memory_space<hbm>>
        tpu.wait_indirect_dma semaphore(%arg14 : memref<!tpu.dma_semaphore, #tpu.memory_space<semaphore_mem>>) src(%dma_wait3A_78 : memref<10008x128xf32, #tpu.memory_space<hbm>>) dst(%arg11 : memref<128x128xf32, #tpu.memory_space<vmem>>)
        %add3A_79 = arith.constant 1 : i32
        %add3A_80 = arith.addi %mul3A_48, %add3A_79 : i32
        "tpu.region"() ({
          %run_scoped3A_81 = tpu.sem_alloc : memref<!tpu.dma_semaphore, #tpu.memory_space<semaphore_mem>>
          %dma_start3A_82 = arith.constant 0 : i32
          %dma_start3A_83 = tpu.memref_slice %arg9[%add3A_80, %dma_start3A_82] : memref<40x128xi32, #tpu.memory_space<vmem>> -> memref<1x128xi32, #tpu.memory_space<vmem>>
          %dma_start3A_84 = tpu.memref_squeeze %dma_start3A_83 : memref<1x128xi32, #tpu.memory_space<vmem>> -> memref<128xi32, #tpu.memory_space<vmem>>
          %dma_start3A_85 = arith.constant 0 : i32
          %dma_start3A_86 = arith.constant 0 : i32
          %dma_start3A_87 = tpu.memref_slice %arg12[%dma_start3A_85, %dma_start3A_86] : memref<10112x128xf32, #tpu.memory_space<vmem_shared>> -> memref<10112x128xf32, #tpu.memory_space<vmem_shared>>
          tpu.enqueue_indirect_dma source(%arg11 : memref<128x128xf32, #tpu.memory_space<vmem>>) target(%dma_start3A_87 : memref<10112x128xf32, #tpu.memory_space<vmem_shared>>) offsets(%dma_start3A_84 : memref<128xi32, #tpu.memory_space<vmem>>) semaphore(%run_scoped3A_81 : memref<!tpu.dma_semaphore, #tpu.memory_space<semaphore_mem>>) {add = true}
          %dma_wait3A_88 = arith.constant 0 : i32
          %dma_wait3A_89 = tpu.memref_slice %arg9[%add3A_80, %dma_wait3A_88] : memref<40x128xi32, #tpu.memory_space<vmem>> -> memref<1x128xi32, #tpu.memory_space<vmem>>
          %dma_wait3A_90 = tpu.memref_squeeze %dma_wait3A_89 : memref<1x128xi32, #tpu.memory_space<vmem>> -> memref<128xi32, #tpu.memory_space<vmem>>
          %dma_wait3A_91 = arith.constant 0 : i32
          %dma_wait3A_92 = arith.constant 0 : i32
          %dma_wait3A_93 = tpu.memref_slice %arg12[%dma_wait3A_91, %dma_wait3A_92] : memref<10112x128xf32, #tpu.memory_space<vmem_shared>> -> memref<10112x128xf32, #tpu.memory_space<vmem_shared>>
          tpu.wait_indirect_dma semaphore(%run_scoped3A_81 : memref<!tpu.dma_semaphore, #tpu.memory_space<semaphore_mem>>) src(%arg11 : memref<128x128xf32, #tpu.memory_space<vmem>>) dst(%dma_wait3A_93 : memref<10112x128xf32, #tpu.memory_space<vmem_shared>>)
          tpu.yield
        }) : () -> ()
      }
      %scan3A_37 = arith.constant 20 : i32
      %dma_wait3A_38 = arith.constant 0 : i32
      %dma_wait3A_39 = arith.constant 0 : i32
      %dma_wait3A_40 = tpu.memref_slice %arg8[%dma_wait3A_38, %dma_wait3A_39] : memref<40x128xi32, #tpu.memory_space<vmem>> -> memref<1x128xi32, #tpu.memory_space<vmem>>
      %dma_wait3A_41 = tpu.memref_squeeze %dma_wait3A_40 : memref<1x128xi32, #tpu.memory_space<vmem>> -> memref<128xi32, #tpu.memory_space<vmem>>
      %dma_wait3A_42 = arith.constant 0 : i32
      %dma_wait3A_43 = arith.constant 0 : i32
      %dma_wait3A_44 = tpu.memref_slice %arg3[%dma_wait3A_42, %dma_wait3A_43] : memref<10008x128xf32, #tpu.memory_space<hbm>> -> memref<10008x128xf32, #tpu.memory_space<hbm>>
      tpu.wait_indirect_dma semaphore(%arg13 : memref<!tpu.dma_semaphore, #tpu.memory_space<semaphore_mem>>) src(%dma_wait3A_44 : memref<10008x128xf32, #tpu.memory_space<hbm>>) dst(%arg10 : memref<128x128xf32, #tpu.memory_space<vmem>>)
      %barrier3A_45 = arith.constant 0 : index
      tpu.barrier barrier_id(%barrier3A_45)
      %run_scoped3A = arith.constant 1 : i32
      "tpu.region"() ({
        %run_scoped3A_46 = tpu.sem_alloc : memref<!tpu.dma_semaphore, #tpu.memory_space<semaphore_mem>>
        %dma_start3A_47 = arith.constant 0 : i32
        %dma_start3A_48 = arith.constant 0 : i32
        %dma_start3A_49 = tpu.memref_slice %arg7[%run_scoped3A, %dma_start3A_47, %dma_start3A_48] : memref<2x10112x128xf32, #tpu.memory_space<hbm>> -> memref<1x10112x128xf32, #tpu.memory_space<hbm>>
        %dma_start3A_50 = tpu.memref_squeeze %dma_start3A_49 : memref<1x10112x128xf32, #tpu.memory_space<hbm>> -> memref<10112x128xf32, #tpu.memory_space<hbm>>
        %dma_start3A_51 = arith.constant 0 : i32
        %dma_start3A_52 = tpu.memref_slice %dma_start3A_50[%mul3A_7, %dma_start3A_51] : memref<10112x128xf32, #tpu.memory_space<hbm>> -> memref<632x128xf32, #tpu.memory_space<hbm>>
        %dma_start3A_53 = arith.constant 0 : i32
        %dma_start3A_54 = tpu.memref_slice %arg12[%mul3A_7, %dma_start3A_53] : memref<10112x128xf32, #tpu.memory_space<vmem_shared>> -> memref<632x128xf32, #tpu.memory_space<vmem_shared>>
        tpu.enqueue_dma source(%dma_start3A_54 : memref<632x128xf32, #tpu.memory_space<vmem_shared>>) target(%dma_start3A_52 : memref<632x128xf32, #tpu.memory_space<hbm>>) target_semaphore(%run_scoped3A_46 : memref<!tpu.dma_semaphore, #tpu.memory_space<semaphore_mem>>)
        %dma_wait3A_55 = arith.constant 0 : i32
        %dma_wait3A_56 = arith.constant 0 : i32
        %dma_wait3A_57 = tpu.memref_slice %arg7[%run_scoped3A, %dma_wait3A_55, %dma_wait3A_56] : memref<2x10112x128xf32, #tpu.memory_space<hbm>> -> memref<1x10112x128xf32, #tpu.memory_space<hbm>>
        %dma_wait3A_58 = tpu.memref_squeeze %dma_wait3A_57 : memref<1x10112x128xf32, #tpu.memory_space<hbm>> -> memref<10112x128xf32, #tpu.memory_space<hbm>>
        %dma_wait3A_59 = arith.constant 0 : i32
        %dma_wait3A_60 = tpu.memref_slice %dma_wait3A_58[%mul3A_7, %dma_wait3A_59] : memref<10112x128xf32, #tpu.memory_space<hbm>> -> memref<632x128xf32, #tpu.memory_space<hbm>>
        %dma_wait3A_61 = arith.constant 0 : i32
        %dma_wait3A_62 = tpu.memref_slice %arg12[%mul3A_7, %dma_wait3A_61] : memref<10112x128xf32, #tpu.memory_space<vmem_shared>> -> memref<632x128xf32, #tpu.memory_space<vmem_shared>>
        tpu.wait_dma2 semaphore(%run_scoped3A_46 : memref<!tpu.dma_semaphore, #tpu.memory_space<semaphore_mem>>) src(%dma_wait3A_62 : memref<632x128xf32, #tpu.memory_space<vmem_shared>>) dst(%dma_wait3A_60 : memref<632x128xf32, #tpu.memory_space<hbm>>)
        tpu.yield
      }) : () -> ()
    } else {
    }
    return
  }
}

</mosaic_0001>

<sc_bundles>
// kernel: _sc_agg.3.cloned.1.call-start
scs
__scs_entry_jumppad:
0x0: {  	(pc) =	sbr.rel $0x88, $3  }
0x1: {  	(tag) =	ssettag $0x0;
	lr =	simm.s32 $0x1  }
0x2: {  	[smem:$0x3F9C] =	sst lr;
	_ =	strace $0xD0000000  }
0x3: {  	_ = 	snop  }
0x4: {  	_ = 	snop  }
0x5: {  	_ = 	snop  }
0x6: {  	_ = 	snop  }
0x7: {  	_ = 	snop  }
__scs_overlays_trampoline_lowered:
0x8: {  	[smem:$0x3FAB] =	sst s0  }
0x9: {  	[smem:$0x3FAC] =	sst s1  }
0xa: {  	[smem:$0x3FAD] =	sst s2  }
0xb: {  	[smem:$0x3FAE] =	sst s3  }
0xc: {  	[smem:$0x3FAF] =	sst s4  }
0xd: {  	[smem:$0x3FB0] =	sst s5  }
0xe: {  	[smem:$0x3FB1] =	sst s6  }
0xf: {  	[smem:$0x3FB2] =	sst s7  }
0x10: {  	[smem:$0x3FB3] =	sst s8  }
0x11: {  	[smem:$0x3FB4] =	sst s9;
	s0 =	simm.s32 @!p0 $0x0  }
0x12: {  	s1 =	sld [smem:$0x3F9A];
	s0 =	simm.s32 @p0 $0x1  }
0x13: {  	[smem:$0x3FB5] =	sst s0;
	s0 =	simm.s32 @!p1 $0x0  }
0x14: {  	s2 =	sld [smem:$0x3F99];
	s0 =	simm.s32 @p1 $0x1  }
0x15: {  	[smem:$0x3FB6] =	sst s0;
	s0 =	simm.s32 @!p2 $0x0  }
0x16: {  	s3 =	sld [smem:$0x3FDB];
	s0 =	simm.s32 @p2 $0x1  }
0x17: {  	s4 =	simm.s32 $0x1BF5;
	[smem:$0x3FB8] =	sst s0  }
0x18: {  	s0 =	sld [smem:$0x3F9B];
	_ =	swait.ge [sflag:s4], $0x0  }
0x19: {  	s7 =	sld [smem:$0x3F9C]  }
0x1a: {  	s8 =	sadd.s32 $0xFFFFE003, lr  }
0x1b: {  	s9 =	sadd.s32 $0xFFFFFEF7, lr;
	s5 =	simm.s32 $0xFFFFFFFF;
	p2 =	slt.u32 s8, $0xFFFFF086  }
0x1c: {  	p1 =	slt.u32 s9, $0xF7A;
	s5 =	simm.s32 @!p2 $0x0  }
0x1d: {  	s5 =	simm.s32 @p1 $0x1;
	p0 =	seq.s32 s7, s2  }
0x1e: {  	s7 =	smul.u32 @!p0 $0xF7A, s2;
	p2 =	seq.s32 @!p0 s5, $0x0  }
0x1f: {  	s9 =	smul.u32 $0xF7A, s1;
	s8 =	simm.s32 @!p0 $0x1BF5;
	p2 =	por !p2, p0  }
0x20: {  	[sflag:s8] =	ssyncset.s32 @!p0 $0xFFFFF086;
	s6 =	sadd.s32 @!p0 s3, s7;
	s7 =	simm.s32 @!p0 $0x108  }
0x21: {  	s3 =	sadd.s32 s3, s9;
	s6 =	sadd.s32 @!p0 $0x88, s6;
	s7 =	simm.s32 @p2 $0x1082  }
0x22: {  	[simem:s7], [sflag:s8] =	dma.local @!p0 [hbm:s6], $0xF7A  }
0x23: {  	s9 =	sor.u32 $0xD0000000, s2;
	s6 =	simm.s32 $0x108;
	_ =	swait.ge @!p0 [sflag:s8], $0x0  }
0x24: {  	s3 =	sadd.s32 $0x88, s3;
	s6 =	simm.s32 @!p1 $0x1082;
	[sflag:s4] =	ssyncset.s32 $0xFFFFF086  }
0x25: {  	[simem:s6], [sflag:s4] =	dma.local [hbm:s3], $0xF7A  }
0x26: {  	[smem:$0x3F9C] =	sst s1;
	(tag) =	ssettag s2;
	_ =	strace s9  }
0x27: {  	s1 =	sld [smem:$0x3FAC]  }
0x28: {  	s2 =	sld [smem:$0x3FAD]  }
0x29: {  	s4 =	sld [smem:$0x3FAF]  }
0x2a: {  	p0 =	seq.s32 s5, $0x0;
	s5 =	sld [smem:$0x3FB0]  }
0x2b: {  	s6 =	sld [smem:$0x3FB1]  }
0x2c: {  	s7 =	sld [smem:$0x3FB2]  }
0x2d: {  	s3 =	simm.s32 $0x108;
	s8 =	sld [smem:$0x3FB3]  }
0x2e: {  	s3 =	simm.s32 @!p0 $0x1082;
	s9 =	sld [smem:$0x3FB4]  }
0x2f: {  	lr =	sadd.s32 s0, s3;
	s0 =	sld [smem:$0x3FAB]  }
0x30: {  	s3 =	sld [smem:$0x3FAE]  }
0x31: {  	[smem:$0x3FB7] =	sst s10  }
0x32: {  	s10 =	sld [smem:$0x3FB5];
	_ =	sdelay $0x3  }
0x33: {  	p0 =	seq.s32 s10, $0x1;
	s10 =	sld [smem:$0x3FB7];
	_ =	sdelay $0x3  }
0x34: {  	[smem:$0x3FB7] =	sst s10  }
0x35: {  	s10 =	sld [smem:$0x3FB6];
	_ =	sdelay $0x3  }
0x36: {  	p1 =	seq.s32 s10, $0x1;
	s10 =	sld [smem:$0x3FB7];
	_ =	sdelay $0x3  }
0x37: {  	[smem:$0x3FB7] =	sst s10  }
0x38: {  	s10 =	sld [smem:$0x3FB8]  }
0x39: {  	_ = 	snop;
	(pc) =	sbr.ind lr, $3  }
0x3a: {  	_ = 	snop  }
0x3b: {  	_ = 	snop  }
0x3c: {  	p2 =	seq.s32 s10, $0x1;
	s10 =	sld [smem:$0x3FB7]  }
0x3d: {  	_ =	shalt  }
0x3e: {  	_ =	shalt  }
0x3f: {  	_ =	shalt  }
0x40: {  	_ =	shalt  }
0x41: {  	_ =	shalt  }
0x42: {  	_ =	shalt  }
0x43: {  	_ =	shalt  }
0x44: {  	_ =	shalt  }
0x45: {  	_ =	shalt  }
0x46: {  	_ =	shalt  }
0x47: {  	_ =	shalt  }
0x48: {  	_ =	shalt  }
0x49: {  	_ =	shalt  }
0x4a: {  	_ =	shalt  }
0x4b: {  	_ =	shalt  }
0x4c: {  	_ =	shalt  }
0x4d: {  	_ =	shalt  }
0x4e: {  	_ =	shalt  }
0x4f: {  	_ =	shalt  }
0x50: {  	_ =	shalt  }
0x51: {  	_ =	shalt  }
0x52: {  	_ =	shalt  }
0x53: {  	_ =	shalt  }
0x54: {  	_ =	shalt  }
0x55: {  	_ =	shalt  }
0x56: {  	_ =	shalt  }
0x57: {  	_ =	shalt  }
0x58: {  	_ =	shalt  }
0x59: {  	_ =	shalt  }
0x5a: {  	_ =	shalt  }
0x5b: {  	_ =	shalt  }
0x5c: {  	_ =	shalt  }
0x5d: {  	_ =	shalt  }
0x5e: {  	_ =	shalt  }
0x5f: {  	_ =	shalt  }
0x60: {  	_ =	shalt  }
0x61: {  	_ =	shalt  }
0x62: {  	_ =	shalt  }
0x63: {  	_ =	shalt  }
0x64: {  	_ =	shalt  }
0x65: {  	_ =	shalt  }
0x66: {  	_ =	shalt  }
0x67: {  	_ =	shalt  }
0x68: {  	_ =	shalt  }
0x69: {  	_ =	shalt  }
0x6a: {  	_ =	shalt  }
0x6b: {  	_ =	shalt  }
0x6c: {  	_ =	shalt  }
0x6d: {  	_ =	shalt  }
0x6e: {  	_ =	shalt  }
0x6f: {  	_ =	shalt  }
0x70: {  	_ =	shalt  }
0x71: {  	_ =	shalt  }
0x72: {  	_ =	shalt  }
0x73: {  	_ =	shalt  }
0x74: {  	_ =	shalt  }
0x75: {  	_ =	shalt  }
0x76: {  	_ =	shalt  }
0x77: {  	_ =	shalt  }
0x78: {  	_ =	shalt  }
0x79: {  	_ =	shalt  }
0x7a: {  	_ =	shalt  }
0x7b: {  	_ =	shalt  }
0x7c: {  	_ =	shalt  }
0x7d: {  	_ =	shalt  }
0x7e: {  	_ =	shalt  }
0x7f: {  	_ =	shalt  }
0x80: {  	_ =	shalt  }
0x81: {  	_ =	shalt  }
0x82: {  	_ =	shalt  }
0x83: {  	_ =	shalt  }
0x84: {  	_ =	shalt  }
0x85: {  	_ =	shalt  }
0x86: {  	_ =	shalt  }
0x87: {  	_ =	shalt  }
.Lfunc_end0:
.L_simem_size_0:
called_computation_lowered:
.L_overlay_start_0:
0x88: {  	s2 =	sld [smem:$0x3FD9]  }
0x89: {  	s3 =	sld [smem:$0x3FFE];
	_ =	sdelay $0x1  }
0x8a: {  	s1 =	srdreg.scid  }
0x8b: {  	s0 =	sand.u32 $0x1, s1  }
0x8c: {  	s18 =	sshll.u32 s0, $0xA;
	s2 =	sadd.s32 s3, s2  }
0x8d: {  	s2 =	sadd.s32 s2, s18  }
0x8e: {  	[smem:$0x3FC3] =	sst s2  }
0x8f: {  	_ = 	snop  }
0x90: {  	s2 =	sld [smem:$0x3FC9]  }
0x91: {  	s19 =	sld [smem:$0x3FC8]  }
0x92: {  	s4 =	sld [smem:$0x3FC7]  }
0x93: {  	s5 =	sld [smem:$0x3FC6]  }
0x94: {  	s6 =	sld [smem:$0x3FC5]  }
0x95: {  	s7 =	sld [smem:$0x3FD0];
	(tm) =	ssettm $0x1  }
0x96: {  	s8 =	sld [smem:$0x3FFB];
	_ =	sdelay $0x3  }
0x97: {  	_ =	strace s8  }
0x98: {  	s8 =	sld [smem:$0x3FFC];
	_ =	sdelay $0x3  }
0x99: {  	_ =	strace s8  }
0x9a: {  	s8 =	sld [smem:$0x3FFD];
	_ =	sdelay $0x3  }
0x9b: {  	_ =	strace s8  }
0x9c: {  	_ =	strace $0x8FFFFFFF  }
0x9d: {  	s20 =	sld [smem:$0x3FDB];
	_ =	sdelay $0x1  }
0x9e: {  	s9 =	simm.s32 $_scs_section_size  }
0x9f: {  	s10 =	simm.s32 $_size__tile_overlayer_lowered;
	s11 =	simm.s32 $_tile_overlayer_lowered  }
0xa0: {  	s23 =	simm.s32 $0x1BFF;
	s22 =	sshll.u32 s11, $0x1;
	s8 =	sadd.s32 s9, s20  }
0xa1: {  	s12 =	simm.s32 $0x0;
	s21 =	sshll.u32 s10, $0x1;
	s10 =	sadd.s32 s22, s8  }
0xa2: {  	[timem:s12], [sflag:s23] =	dma.local [hbm:s10], s21  }
0xa3: {  	_ =	swait.ge [sflag:s23], s21  }
0xa4: {  	s9 =	ssub.s32 $0x0, s21;
	[sflag:s23] =	ssyncset.done $0x0  }
0xa5: {  	[sflag:s23] =	ssyncadd.s32 s9;
	_ =	sdelay $0x1  }
0xa6: {  	s24 =	simm.s32 $0x1B8B  }
0xa7: {  	_ =	swait.ge [sflag:s24], $0x1  }
0xa8: {  	[sflag:s24] =	ssyncset.done $0x0  }
0xa9: {  	s25 =	simm.s32 $0x1B8E;
	[sflag:s24] =	ssyncadd.s32 $0xFFFFFFFF  }
0xaa: {  	s26 =	simm.s32 $execute0_lowered;
	[smem:$0x3FD2] =	sst s25  }
0xab: {  	s9 =	sshll.u32 s26, $0x1;
	_ =	strace $0x80000046;
	[dreg:$0x1] =	wrdreg $0xFFFFFFFF  }
0xac: {  	s28 =	simm.s32 $_size_execute0_lowered;
	s8 =	sadd.s32 s8, s9;
	[dreg:$0x0] =	wrdreg $0x0  }
0xad: {  	s9 =	sshll.u32 s28, $0x1;
	[dreg:$0x2] =	wrdreg s8  }
0xae: {  	[dreg:$0x3] =	wrdreg s9  }
0xaf: {  	[dreg:$0x4] =	wrdreg $0xC0  }
0xb0: {  	_ =	task [dreg:s12], $0x5FFFF  }
0xb1: {  	[dreg:$0x1] =	wrdreg $0xFFFFFFFF  }
0xb2: {  	[dreg:$0x0] =	wrdreg $0x60  }
0xb3: {  	[dreg:$0x2] =	wrdreg s2  }
0xb4: {  	[dreg:$0x3] =	wrdreg s19  }
0xb5: {  	[dreg:$0x4] =	wrdreg s4  }
0xb6: {  	[dreg:$0x5] =	wrdreg s5  }
0xb7: {  	[dreg:$0x6] =	wrdreg s6  }
0xb8: {  	[dreg:$0x7] =	wrdreg s7  }
0xb9: {  	[dreg:$0x8] =	wrdreg $0xA8000  }
0xba: {  	[dreg:$0x9] =	wrdreg $0x9  }
0xbb: {  	_ =	task.clear_ibuf [dreg:s12], $0xAFFFF;
	_ =	strace $0x90000046  }
0xbc: {  	s29 =	simm.s32 $0x9;
	_ =	strace $0x80000048  }
0xbd: {  	_ =	swait.ge [sflag:s29], $0x1  }
0xbe: {  	[sflag:s29] =	ssyncadd.s32 $0xFFFFFFFF  }
0xbf: {  	_ =	strace $0x90000048  }
0xc0: {  	_ =	sfence  }
0xc1: {  	s30 =	sld [smem:$0x0];
	_ =	sdelay $0x2  }
0xc2: {  	s31 =	sshll.u32 s1, $0xD;
	s1 =	sshrl.u32 s1, $0x2  }
0xc3: {  	s3 =	sand.u32 $0x4000, s31;
	s1 =	sadd.s32 s1, s30  }
0xc4: {  	s0 =	sor.u32 s3, s0;
	s1 =	sshll.u32 s1, $0x11  }
0xc5: {  	s0 =	sor.u32 s1, s0  }
0xc6: {  	s0 =	sadd.s32 $0x8F2B, s0  }
0xc7: {  	[sflag:s0] =	ssyncadd.remote.s32 $0x1  }
0xc8: {  	_ =	sfence.sel $0xFFFF  }
0xc9: {  	[dreg:$0x0] =	wrdreg $0xFFFFFFFF;
	(pc) =	sbr.abs _section_cstart, $3  }
0xca: {  	[dreg:$0x1] =	wrdreg $0xFFFFFFFF  }
0xcb: {  	_ =	task.clear_ibuf [dreg:s12], $0x2FFFF;
	_ =	strace $0x9FFFFFFF  }
0xcc: {  	(tm) =	ssettm $0x7FFFFFFF  }
0xcd: {  	_ =	shalt  }
tec
execute0_lowered:
.L_overlay_start_1:
0x0: {  	(tag) =	ssettag $0x1  }
0x1: {  	s0 =	rddreg [dreg:$0x0]  }
0x2: {  	s2 =	rddreg [dreg:$0x1]  }
0x3: {  	s9 =	rddreg [dreg:$0x2]  }
0x4: {  	s10 =	rddreg [dreg:$0x3]  }
0x5: {  	s6 =	rddreg [dreg:$0x4]  }
0x6: {  	s12 =	rddreg [dreg:$0x5]  }
0x7: {  	s4 =	rddreg [dreg:$0x6];
	s7 =	srdreg.scid;
	s5 =	simm.s32 $0x0  }
0x8: {  	s3 =	stileid.u32;
	s16 =	simm.s32 $0x1400;
	s17 =	simm.s32 $0x80  }
0x9: {  	s18 =	simm.s32 $0x2800;
	s19 =	simm.s32 $0x6800;
	s20 =	simm.s32 $0x1  }
0xa: {  	s21 =	simm.s32 $0x2;
	s22 =	simm.s32 $0x1380;
	s11 =	smul.u32 $0x4F000, s3  }
0xb: {  	s23 =	simm.s32 $0x2700;
	s26 =	simm.s32 $0x0;
	s14 =	smul.u32 $0x2800, s3  }
0xc: {  	s7 =	sand.u32 $0x1, s7;
	[smem:$0x7FF] =	sst s5;
	s24 =	smul.u32 $0x2780, s3  }
0xd: {  	s25 =	sadd.s32 $0x27800, s12;
	s31 =	sshll.u32 s3, $0x6;
	s8 =	ssub.s32 $0x2, s7  }
0xe: {  	_ =	strace $0x80000047;
	p0 =	seq.s32 s7, $0x1;
	s13 =	sshrl.u32 s8, $0x1  }
0xf: {  	s28 =	sshrl.u32 s11, $0x2;
	s29 =	sshrl.u32 s14, $0x3;
	s6 =	sadd.s32 s6, s24  }
.Ltmp0:
0x10: {  	s11 =	sadd.s32 s12, s24;
	s24 =	sadd.s32 s24, s25;
	(pc) =	sbr.rel .LBB2_1-.Ltmp0, $4  }
0x11: {  	s25 =	simm.s32 $0x2780;
	s13 =	ssub.s32 s8, s13;
	s15 =	sadd.s32 s28, s4  }
0x12: {  	s7 =	sadd.s32 s9, s29;
	s30 =	sadd.s32 $0x280, s29;
	s8 =	sadd.s32 s10, s29  }
0x13: {  	s9 =	sadd.s32 s9, s30;
	s10 =	sadd.s32 s10, s30;
	s12 =	smax.u32 s13, $0x1  }
0x14: {  	s13 =	sor.u32 $0x1C03, s31;
	s14 =	sshrl.u32 s15, $0x3;
	s15 =	simm.s32 $0x3  }
.LBB2_11:
0x15: {  	s1 =	sadd.s32 $0x80, s28;
	[sflag:s15] =	ssyncadd.s32 $0xFFFFC000  }
0x16: {  	[tilespmem:s19], [sflag:$0x2] =	stream.indirect.gather [hbm4b:s2+s17], $0x80, s1, s17, $0xb8;
	[tilespmem:$0x1E400] =	vst v63  }
0x17: {  	_ =	swait.ge [sflag:s20], $0x4000  }
0x18: {  	[sflag:s20] =	ssyncset.done $0x0  }
0x19: {  	s29 =	sadd.s32 $0x1400, s28;
	[sflag:s20] =	ssyncadd.s32 $0xFFFFC000  }
0x1a: {  	[spmem:s4] =	stream.indirect.scatter.add.f32 [tilespmem:s18], [sflag:$0x3], $0x80, s29, s17, $0xb8;
	[tilespmem:$0x1E400] =	vst v63  }
0x1b: {  	_ =	swait.ge [sflag:s15], $0x4000  }
0x1c: {  	[sflag:s15] =	ssyncset.done $0x0  }
0x1d: {  	s30 =	sadd.s32 $0x100, s28;
	[sflag:s15] =	ssyncadd.s32 $0xFFFFC000  }
0x1e: {  	[tilespmem:s18], [sflag:$0x1] =	stream.indirect.gather [hbm4b:s2+s17], $0x80, s30, s17, $0xb8;
	[tilespmem:$0x1E400] =	vst v63  }
0x1f: {  	_ =	swait.ge [sflag:s21], $0x4000  }
0x20: {  	[sflag:s21] =	ssyncset.done $0x0  }
0x21: {  	s31 =	sadd.s32 $0x1480, s28;
	[sflag:s21] =	ssyncadd.s32 $0xFFFFC000  }
0x22: {  	[spmem:s4] =	stream.indirect.scatter.add.f32 [tilespmem:s19], [sflag:$0x3], $0x80, s31, s17, $0xb8;
	[tilespmem:$0x1E400] =	vst v63  }
0x23: {  	_ =	swait.ge [sflag:s15], $0x4000  }
0x24: {  	[sflag:s15] =	ssyncset.done $0x0  }
0x25: {  	[sflag:s15] =	ssyncadd.s32 $0xFFFFC000  }
0x26: {  	[tilespmem:s19], [sflag:$0x2] =	stream.indirect.gather [hbm4b:s2+s17], $0x80, s22, s17, $0xb8;
	[tilespmem:$0x1E400] =	vst v63  }
0x27: {  	_ =	swait.ge [sflag:s20], $0x4000  }
0x28: {  	[sflag:s20] =	ssyncset.done $0x0  }
0x29: {  	[sflag:s20] =	ssyncadd.s32 $0xFFFFC000  }
0x2a: {  	[spmem:s4] =	stream.indirect.scatter.add.f32 [tilespmem:s18], [sflag:$0x3], $0x80, s23, s17, $0xb8;
	[tilespmem:$0x1E400] =	vst v63  }
0x2b: {  	_ =	swait.ge [sflag:s15], $0x4000  }
0x2c: {  	[sflag:s15] =	ssyncset.done $0x0  }
0x2d: {  	[sflag:s15] =	ssyncadd.s32 $0xFFFFC000  }
0x2e: {  	[tilespmem:s18], [sflag:$0x1] =	stream.indirect.gather [hbm4b:s2+s17], $0x80, s22, s17, $0xb8;
	[tilespmem:$0x1E400] =	vst v63  }
0x2f: {  	_ =	swait.ge [sflag:s21], $0x4000  }
0x30: {  	[sflag:s21] =	ssyncset.done $0x0  }
0x31: {  	[sflag:s21] =	ssyncadd.s32 $0xFFFFC000  }
0x32: {  	[spmem:s4] =	stream.indirect.scatter.add.f32 [tilespmem:s19], [sflag:$0x3], $0x80, s25, s17, $0xb8;
	[tilespmem:$0x1E400] =	vst v63  }
0x33: {  	_ =	swait.ge [sflag:s15], $0x4000  }
0x34: {  	[sflag:s15] =	ssyncset.done $0x0  }
0x35: {  	[sflag:s15] =	ssyncadd.s32 $0xFFFFC000  }
0x36: {  	_ =	swait.ge [sflag:s20], $0x4000  }
0x37: {  	[sflag:s20] =	ssyncset.done $0x0  }
0x38: {  	[sflag:s20] =	ssyncadd.s32 $0xFFFFC000  }
0x39: {  	s28 =	smov.u32 s24;
	[bflag:$0x0] =	sbarrier.arrive $0xFFFF  }
.LBB2_12:
0x3a: {  	s26 =	sadd.s32 $0x1, s26  }
0x3b: {  	p1 =	sne.s32 s26, s12  }
.Ltmp1:
0x3c: {  	_ = 	snop;
	(pc) =	sbr.rel @!p1 .LBB2_13-.Ltmp1, $4  }
0x3d: {  	[hbm:s28], [sflag:s13] =	dma.local [spmem:s14], $0x2780  }
0x3e: {  	_ =	swait.ge [sflag:s15], $0x2780  }
0x3f: {  	[sflag:s15] =	ssyncset.done $0x0  }
0x40: {  	[sflag:s15] =	ssyncadd.s32 $0xFFFFD880  }
.LBB2_1:
0x41: {  	[spmem:s14], [sflag:s13] =	dma.local [hbm:s6], $0x2780  }
0x42: {  	_ =	swait.ge [sflag:s15], $0x2780  }
0x43: {  	[sflag:s15] =	ssyncset.done $0x0  }
0x44: {  	[sflag:s15] =	ssyncadd.s32 $0xFFFFD880  }
0x45: {  	[bflag:$0x0] =	sbarrier.arrive $0xFFFF  }
0x46: {  	[tilespmem:s5], [sflag:$0x3] =	stream.linear.gather [hbm4b:s7+s5], $0x1400, $0x38;
	[tilespmem:$0x1E400] =	vst v63  }
0x47: {  	_ =	swait.ge [sflag:s15], $0x1400  }
0x48: {  	[sflag:s15] =	ssyncset.done $0x0  }
.Ltmp2:
0x49: {  	[sflag:s15] =	ssyncadd.s32 $0xFFFFEC00;
	(pc) =	sbr.rel @!p0 .LBB2_2-.Ltmp2, $4  }
0x4a: {  	[tilespmem:s16], [sflag:$0x3] =	stream.linear.gather [hbm4b:s8+s5], $0x1400, $0x38;
	[tilespmem:$0x1E400] =	vst v63  }
0x4b: {  	_ =	swait.ge [sflag:s15], $0x1400  }
0x4c: {  	[sflag:s15] =	ssyncset.done $0x0  }
0x4d: {  	[sflag:s15] =	ssyncadd.s32 $0xFFFFEC00  }
0x4e: {  	s1 =	simm.s32 $0x0  }
0x4f: {  	[tilespmem:s18], [sflag:$0x1] =	stream.indirect.gather [hbm4b:s2+s17], $0x80, s1, s17, $0xb8;
	[tilespmem:$0x1E400] =	vst v63  }
0x50: {  	s30 =	simm.s32 $0x80  }
0x51: {  	[tilespmem:s19], [sflag:$0x2] =	stream.indirect.gather [hbm4b:s2+s17], $0x80, s30, s17, $0xb8;
	[tilespmem:$0x1E400] =	vst v63  }
0x52: {  	_ =	swait.ge [sflag:s20], $0x4000  }
0x53: {  	[sflag:s20] =	ssyncset.done $0x0  }
0x54: {  	s31 =	simm.s32 $0x1400;
	[sflag:s20] =	ssyncadd.s32 $0xFFFFC000  }
0x55: {  	[spmem:s4] =	stream.indirect.scatter.add.f32 [tilespmem:s18], [sflag:$0x3], $0x80, s31, s17, $0xb8;
	[tilespmem:$0x1E400] =	vst v63  }
0x56: {  	_ =	swait.ge [sflag:s15], $0x4000  }
0x57: {  	[sflag:s15] =	ssyncset.done $0x0  }
0x58: {  	s30 =	simm.s32 $0x100;
	[sflag:s15] =	ssyncadd.s32 $0xFFFFC000  }
0x59: {  	[tilespmem:s18], [sflag:$0x1] =	stream.indirect.gather [hbm4b:s2+s17], $0x80, s30, s17, $0xb8;
	[tilespmem:$0x1E400] =	vst v63  }
0x5a: {  	_ =	swait.ge [sflag:s21], $0x4000  }
0x5b: {  	[sflag:s21] =	ssyncset.done $0x0  }
0x5c: {  	s31 =	simm.s32 $0x1480;
	[sflag:s21] =	ssyncadd.s32 $0xFFFFC000  }
0x5d: {  	[spmem:s4] =	stream.indirect.scatter.add.f32 [tilespmem:s19], [sflag:$0x3], $0x80, s31, s17, $0xb8;
	[tilespmem:$0x1E400] =	vst v63  }
0x5e: {  	_ =	swait.ge [sflag:s15], $0x4000  }
0x5f: {  	s29 =	simm.s32 $0x800;
	s28 =	simm.s32 $0x100;
	[sflag:s15] =	ssyncset.done $0x0  }
.LBB2_8:
0x60: {  	s1 =	sadd.s32 $0x80, s28  }
0x61: {  	[sflag:s15] =	ssyncadd.s32 $0xFFFFC000;
	s30 =	smov.u32 s29;
	s31 =	sadd.s32 $0x400, s29  }
0x62: {  	[tilespmem:s19], [sflag:$0x2] =	stream.indirect.gather [hbm4b:s2+s17], $0x80, s1, s17, $0xb8;
	[tilespmem:$0x1E400] =	vst v63  }
0x63: {  	p1 =	sne.s32 s29, $0x4800;
	_ =	swait.ge [sflag:s20], $0x4000  }
0x64: {  	[sflag:s20] =	ssyncset.done $0x0  }
0x65: {  	s1 =	sadd.s32 $0x1400, s28;
	[sflag:s20] =	ssyncadd.s32 $0xFFFFC000  }
0x66: {  	[spmem:s4] =	stream.indirect.scatter.add.f32 [tilespmem:s18], [sflag:$0x3], $0x80, s1, s17, $0xb8;
	[tilespmem:$0x1E400] =	vst v63  }
0x67: {  	_ =	swait.ge [sflag:s15], $0x4000  }
0x68: {  	[sflag:s15] =	ssyncset.done $0x0  }
0x69: {  	s1 =	sadd.s32 $0x100, s28;
	[sflag:s15] =	ssyncadd.s32 $0xFFFFC000  }
0x6a: {  	[tilespmem:s18], [sflag:$0x1] =	stream.indirect.gather [hbm4b:s2+s17], $0x80, s1, s17, $0xb8;
	[tilespmem:$0x1E400] =	vst v63  }
0x6b: {  	_ =	swait.ge [sflag:s21], $0x4000  }
.Ltmp3:
0x6c: {  	[sflag:s21] =	ssyncset.done $0x0;
	(pc) =	sbr.rel @p1 .LBB2_8-.Ltmp3, $4  }
0x6d: {  	s1 =	sadd.s32 $0x1480, s28;
	[sflag:s21] =	ssyncadd.s32 $0xFFFFC000  }
0x6e: {  	[spmem:s4] =	stream.indirect.scatter.add.f32 [tilespmem:s19], [sflag:$0x3], $0x80, s1, s17, $0xb8;
	[tilespmem:$0x1E400] =	vst v63  }
0x6f: {  	_ =	swait.ge [sflag:s15], $0x4000  }
0x70: {  	s29 =	smov.u32 s31;
	s28 =	sshra.s32 s30, $0x2;
	[sflag:s15] =	ssyncset.done $0x0  }
0x71: {  	s1 =	sadd.s32 $0x80, s28;
	[sflag:s15] =	ssyncadd.s32 $0xFFFFC000  }
0x72: {  	[tilespmem:s19], [sflag:$0x2] =	stream.indirect.gather [hbm4b:s2+s17], $0x80, s1, s17, $0xb8;
	[tilespmem:$0x1E400] =	vst v63  }
0x73: {  	_ =	swait.ge [sflag:s20], $0x4000  }
0x74: {  	[sflag:s20] =	ssyncset.done $0x0  }
0x75: {  	s30 =	sadd.s32 $0x1400, s28;
	[sflag:s20] =	ssyncadd.s32 $0xFFFFC000  }
0x76: {  	[spmem:s4] =	stream.indirect.scatter.add.f32 [tilespmem:s18], [sflag:$0x3], $0x80, s30, s17, $0xb8;
	[tilespmem:$0x1E400] =	vst v63  }
0x77: {  	_ =	swait.ge [sflag:s15], $0x4000  }
0x78: {  	[sflag:s15] =	ssyncset.done $0x0  }
0x79: {  	s31 =	sadd.s32 $0x100, s28;
	[sflag:s15] =	ssyncadd.s32 $0xFFFFC000  }
0x7a: {  	[tilespmem:s18], [sflag:$0x1] =	stream.indirect.gather [hbm4b:s2+s17], $0x80, s31, s17, $0xb8;
	[tilespmem:$0x1E400] =	vst v63  }
0x7b: {  	_ =	swait.ge [sflag:s21], $0x4000  }
0x7c: {  	[sflag:s21] =	ssyncset.done $0x0  }
0x7d: {  	s30 =	sadd.s32 $0x1480, s28;
	[sflag:s21] =	ssyncadd.s32 $0xFFFFC000  }
0x7e: {  	[spmem:s4] =	stream.indirect.scatter.add.f32 [tilespmem:s19], [sflag:$0x3], $0x80, s30, s17, $0xb8;
	[tilespmem:$0x1E400] =	vst v63  }
0x7f: {  	_ =	swait.ge [sflag:s15], $0x4000  }
0x80: {  	[sflag:s15] =	ssyncset.done $0x0  }
0x81: {  	[sflag:s15] =	ssyncadd.s32 $0xFFFFC000  }
0x82: {  	[tilespmem:s19], [sflag:$0x2] =	stream.indirect.gather [hbm4b:s2+s17], $0x80, s22, s17, $0xb8;
	[tilespmem:$0x1E400] =	vst v63  }
0x83: {  	_ =	swait.ge [sflag:s20], $0x4000  }
0x84: {  	[sflag:s20] =	ssyncset.done $0x0  }
0x85: {  	[sflag:s20] =	ssyncadd.s32 $0xFFFFC000  }
0x86: {  	[spmem:s4] =	stream.indirect.scatter.add.f32 [tilespmem:s18], [sflag:$0x3], $0x80, s23, s17, $0xb8;
	[tilespmem:$0x1E400] =	vst v63  }
0x87: {  	_ =	swait.ge [sflag:s15], $0x4000  }
0x88: {  	[sflag:s15] =	ssyncset.done $0x0  }
0x89: {  	[sflag:s15] =	ssyncadd.s32 $0xFFFFC000  }
0x8a: {  	[tilespmem:s18], [sflag:$0x1] =	stream.indirect.gather [hbm4b:s2+s17], $0x80, s22, s17, $0xb8;
	[tilespmem:$0x1E400] =	vst v63  }
0x8b: {  	_ =	swait.ge [sflag:s21], $0x4000  }
0x8c: {  	[sflag:s21] =	ssyncset.done $0x0  }
0x8d: {  	[sflag:s21] =	ssyncadd.s32 $0xFFFFC000  }
0x8e: {  	[spmem:s4] =	stream.indirect.scatter.add.f32 [tilespmem:s19], [sflag:$0x3], $0x80, s25, s17, $0xb8;
	[tilespmem:$0x1E400] =	vst v63  }
0x8f: {  	_ =	swait.ge [sflag:s15], $0x4000  }
0x90: {  	[sflag:s15] =	ssyncset.done $0x0  }
0x91: {  	[sflag:s15] =	ssyncadd.s32 $0xFFFFC000  }
0x92: {  	_ =	swait.ge [sflag:s20], $0x4000  }
0x93: {  	[sflag:s20] =	ssyncset.done $0x0  }
0x94: {  	s31 =	simm.s32 $0x0;
	[sflag:s20] =	ssyncadd.s32 $0xFFFFC000  }
0x95: {  	[tilespmem:s31], [sflag:$0x3] =	stream.linear.gather [hbm4b:s9+s31], $0x1400, $0x38;
	[tilespmem:$0x1E400] =	vst v63  }
0x96: {  	_ =	swait.ge [sflag:s15], $0x1400  }
0x97: {  	[sflag:s15] =	ssyncset.done $0x0  }
0x98: {  	[sflag:s15] =	ssyncadd.s32 $0xFFFFEC00  }
0x99: {  	[tilespmem:s16], [sflag:$0x3] =	stream.linear.gather [hbm4b:s10+s31], $0x1400, $0x38;
	[tilespmem:$0x1E400] =	vst v63  }
0x9a: {  	_ =	swait.ge [sflag:s15], $0x1400  }
0x9b: {  	[sflag:s15] =	ssyncset.done $0x0  }
0x9c: {  	[sflag:s15] =	ssyncadd.s32 $0xFFFFEC00  }
0x9d: {  	[tilespmem:s18], [sflag:$0x1] =	stream.indirect.gather [hbm4b:s2+s17], $0x80, s31, s17, $0xb8;
	[tilespmem:$0x1E400] =	vst v63  }
0x9e: {  	s30 =	simm.s32 $0x80  }
0x9f: {  	[tilespmem:s19], [sflag:$0x2] =	stream.indirect.gather [hbm4b:s2+s17], $0x80, s30, s17, $0xb8;
	[tilespmem:$0x1E400] =	vst v63  }
0xa0: {  	_ =	swait.ge [sflag:s20], $0x4000  }
0xa1: {  	[sflag:s20] =	ssyncset.done $0x0  }
0xa2: {  	s31 =	simm.s32 $0x1400;
	[sflag:s20] =	ssyncadd.s32 $0xFFFFC000  }
0xa3: {  	[spmem:s4] =	stream.indirect.scatter.add.f32 [tilespmem:s18], [sflag:$0x3], $0x80, s31, s17, $0xb8;
	[tilespmem:$0x1E400] =	vst v63  }
0xa4: {  	_ =	swait.ge [sflag:s15], $0x4000  }
0xa5: {  	[sflag:s15] =	ssyncset.done $0x0  }
0xa6: {  	s30 =	simm.s32 $0x100;
	[sflag:s15] =	ssyncadd.s32 $0xFFFFC000  }
0xa7: {  	[tilespmem:s18], [sflag:$0x1] =	stream.indirect.gather [hbm4b:s2+s17], $0x80, s30, s17, $0xb8;
	[tilespmem:$0x1E400] =	vst v63  }
0xa8: {  	_ =	swait.ge [sflag:s21], $0x4000  }
0xa9: {  	[sflag:s21] =	ssyncset.done $0x0  }
0xaa: {  	s31 =	simm.s32 $0x1480;
	[sflag:s21] =	ssyncadd.s32 $0xFFFFC000  }
0xab: {  	[spmem:s4] =	stream.indirect.scatter.add.f32 [tilespmem:s19], [sflag:$0x3], $0x80, s31, s17, $0xb8;
	[tilespmem:$0x1E400] =	vst v63  }
0xac: {  	_ =	swait.ge [sflag:s15], $0x4000  }
0xad: {  	s29 =	simm.s32 $0x800;
	s28 =	simm.s32 $0x100;
	[sflag:s15] =	ssyncset.done $0x0  }
.LBB2_10:
0xae: {  	s1 =	sadd.s32 $0x80, s28  }
0xaf: {  	[sflag:s15] =	ssyncadd.s32 $0xFFFFC000;
	s30 =	smov.u32 s29;
	s31 =	sadd.s32 $0x400, s29  }
0xb0: {  	[tilespmem:s19], [sflag:$0x2] =	stream.indirect.gather [hbm4b:s2+s17], $0x80, s1, s17, $0xb8;
	[tilespmem:$0x1E400] =	vst v63  }
0xb1: {  	p1 =	sne.s32 s29, $0x4800;
	_ =	swait.ge [sflag:s20], $0x4000  }
0xb2: {  	[sflag:s20] =	ssyncset.done $0x0  }
0xb3: {  	s1 =	sadd.s32 $0x1400, s28;
	[sflag:s20] =	ssyncadd.s32 $0xFFFFC000  }
0xb4: {  	[spmem:s4] =	stream.indirect.scatter.add.f32 [tilespmem:s18], [sflag:$0x3], $0x80, s1, s17, $0xb8;
	[tilespmem:$0x1E400] =	vst v63  }
0xb5: {  	_ =	swait.ge [sflag:s15], $0x4000  }
0xb6: {  	[sflag:s15] =	ssyncset.done $0x0  }
0xb7: {  	s1 =	sadd.s32 $0x100, s28;
	[sflag:s15] =	ssyncadd.s32 $0xFFFFC000  }
0xb8: {  	[tilespmem:s18], [sflag:$0x1] =	stream.indirect.gather [hbm4b:s2+s17], $0x80, s1, s17, $0xb8;
	[tilespmem:$0x1E400] =	vst v63  }
0xb9: {  	_ =	swait.ge [sflag:s21], $0x4000  }
.Ltmp4:
0xba: {  	[sflag:s21] =	ssyncset.done $0x0;
	(pc) =	sbr.rel @p1 .LBB2_10-.Ltmp4, $4  }
0xbb: {  	s1 =	sadd.s32 $0x1480, s28;
	[sflag:s21] =	ssyncadd.s32 $0xFFFFC000  }
0xbc: {  	[spmem:s4] =	stream.indirect.scatter.add.f32 [tilespmem:s19], [sflag:$0x3], $0x80, s1, s17, $0xb8;
	[tilespmem:$0x1E400] =	vst v63  }
0xbd: {  	_ =	swait.ge [sflag:s15], $0x4000  }
0xbe: {  	s29 =	smov.u32 s31;
	s28 =	sshra.s32 s30, $0x2;
	[sflag:s15] =	ssyncset.done $0x0  }
.Ltmp5:
0xbf: {  	_ = 	snop;
	(pc) =	sbr.rel .LBB2_11-.Ltmp5, $1  }
0xc0: {  	_ =	sdelay $0x3  }
.LBB2_2:
0xc1: {  	s28 =	simm.s32 $0x0  }
0xc2: {  	[tilespmem:s18], [sflag:$0x1] =	stream.indirect.gather [hbm4b:s0+s17], $0x80, s28, s17, $0xb8;
	[tilespmem:$0x1E400] =	vst v63  }
0xc3: {  	s28 =	simm.s32 $0x80  }
0xc4: {  	[tilespmem:s19], [sflag:$0x2] =	stream.indirect.gather [hbm4b:s0+s17], $0x80, s28, s17, $0xb8;
	[tilespmem:$0x1E400] =	vst v63  }
0xc5: {  	_ =	swait.ge [sflag:s20], $0x4000  }
0xc6: {  	[sflag:s20] =	ssyncset.done $0x0  }
0xc7: {  	s28 =	simm.s32 $0x1400;
	[sflag:s20] =	ssyncadd.s32 $0xFFFFC000  }
0xc8: {  	[spmem:s4] =	stream.indirect.scatter.add.f32 [tilespmem:s18], [sflag:$0x3], $0x80, s28, s17, $0xb8;
	[tilespmem:$0x1E400] =	vst v63  }
0xc9: {  	_ =	swait.ge [sflag:s15], $0x4000  }
0xca: {  	[sflag:s15] =	ssyncset.done $0x0  }
0xcb: {  	s28 =	simm.s32 $0x100;
	[sflag:s15] =	ssyncadd.s32 $0xFFFFC000  }
0xcc: {  	[tilespmem:s18], [sflag:$0x1] =	stream.indirect.gather [hbm4b:s0+s17], $0x80, s28, s17, $0xb8;
	[tilespmem:$0x1E400] =	vst v63  }
0xcd: {  	_ =	swait.ge [sflag:s21], $0x4000  }
0xce: {  	[sflag:s21] =	ssyncset.done $0x0  }
0xcf: {  	s28 =	simm.s32 $0x1480;
	[sflag:s21] =	ssyncadd.s32 $0xFFFFC000  }
0xd0: {  	[spmem:s4] =	stream.indirect.scatter.add.f32 [tilespmem:s19], [sflag:$0x3], $0x80, s28, s17, $0xb8;
	[tilespmem:$0x1E400] =	vst v63  }
0xd1: {  	_ =	swait.ge [sflag:s15], $0x4000  }
0xd2: {  	s29 =	simm.s32 $0x800;
	s28 =	simm.s32 $0x100;
	[sflag:s15] =	ssyncset.done $0x0  }
.LBB2_3:
0xd3: {  	s30 =	sadd.s32 $0x80, s28  }
0xd4: {  	[sflag:s15] =	ssyncadd.s32 $0xFFFFC000;
	s31 =	smov.u32 s29;
	s1 =	sadd.s32 $0x400, s29  }
0xd5: {  	[tilespmem:s19], [sflag:$0x2] =	stream.indirect.gather [hbm4b:s0+s17], $0x80, s30, s17, $0xb8;
	[tilespmem:$0x1E400] =	vst v63  }
0xd6: {  	p1 =	sne.s32 s29, $0x4800;
	_ =	swait.ge [sflag:s20], $0x4000  }
0xd7: {  	[sflag:s20] =	ssyncset.done $0x0  }
0xd8: {  	s29 =	sadd.s32 $0x1400, s28;
	[sflag:s20] =	ssyncadd.s32 $0xFFFFC000  }
0xd9: {  	[spmem:s4] =	stream.indirect.scatter.add.f32 [tilespmem:s18], [sflag:$0x3], $0x80, s29, s17, $0xb8;
	[tilespmem:$0x1E400] =	vst v63  }
0xda: {  	_ =	swait.ge [sflag:s15], $0x4000  }
0xdb: {  	[sflag:s15] =	ssyncset.done $0x0  }
0xdc: {  	s29 =	sadd.s32 $0x100, s28;
	[sflag:s15] =	ssyncadd.s32 $0xFFFFC000  }
0xdd: {  	[tilespmem:s18], [sflag:$0x1] =	stream.indirect.gather [hbm4b:s0+s17], $0x80, s29, s17, $0xb8;
	[tilespmem:$0x1E400] =	vst v63  }
0xde: {  	_ =	swait.ge [sflag:s21], $0x4000  }
.Ltmp6:
0xdf: {  	[sflag:s21] =	ssyncset.done $0x0;
	(pc) =	sbr.rel @p1 .LBB2_3-.Ltmp6, $4  }
0xe0: {  	s28 =	sadd.s32 $0x1480, s28;
	[sflag:s21] =	ssyncadd.s32 $0xFFFFC000  }
0xe1: {  	[spmem:s4] =	stream.indirect.scatter.add.f32 [tilespmem:s19], [sflag:$0x3], $0x80, s28, s17, $0xb8;
	[tilespmem:$0x1E400] =	vst v63  }
0xe2: {  	_ =	swait.ge [sflag:s15], $0x4000  }
0xe3: {  	s29 =	smov.u32 s1;
	s28 =	sshra.s32 s31, $0x2;
	[sflag:s15] =	ssyncset.done $0x0  }
0xe4: {  	s1 =	sadd.s32 $0x80, s28;
	[sflag:s15] =	ssyncadd.s32 $0xFFFFC000  }
0xe5: {  	[tilespmem:s19], [sflag:$0x2] =	stream.indirect.gather [hbm4b:s0+s17], $0x80, s1, s17, $0xb8;
	[tilespmem:$0x1E400] =	vst v63  }
0xe6: {  	_ =	swait.ge [sflag:s20], $0x4000  }
0xe7: {  	[sflag:s20] =	ssyncset.done $0x0  }
0xe8: {  	s30 =	sadd.s32 $0x1400, s28;
	[sflag:s20] =	ssyncadd.s32 $0xFFFFC000  }
0xe9: {  	[spmem:s4] =	stream.indirect.scatter.add.f32 [tilespmem:s18], [sflag:$0x3], $0x80, s30, s17, $0xb8;
	[tilespmem:$0x1E400] =	vst v63  }
0xea: {  	_ =	swait.ge [sflag:s15], $0x4000  }
0xeb: {  	[sflag:s15] =	ssyncset.done $0x0  }
0xec: {  	s31 =	sadd.s32 $0x100, s28;
	[sflag:s15] =	ssyncadd.s32 $0xFFFFC000  }
0xed: {  	[tilespmem:s18], [sflag:$0x1] =	stream.indirect.gather [hbm4b:s0+s17], $0x80, s31, s17, $0xb8;
	[tilespmem:$0x1E400] =	vst v63  }
0xee: {  	_ =	swait.ge [sflag:s21], $0x4000  }
0xef: {  	[sflag:s21] =	ssyncset.done $0x0  }
0xf0: {  	s30 =	sadd.s32 $0x1480, s28;
	[sflag:s21] =	ssyncadd.s32 $0xFFFFC000  }
0xf1: {  	[spmem:s4] =	stream.indirect.scatter.add.f32 [tilespmem:s19], [sflag:$0x3], $0x80, s30, s17, $0xb8;
	[tilespmem:$0x1E400] =	vst v63  }
0xf2: {  	_ =	swait.ge [sflag:s15], $0x4000  }
0xf3: {  	[sflag:s15] =	ssyncset.done $0x0  }
0xf4: {  	[sflag:s15] =	ssyncadd.s32 $0xFFFFC000  }
0xf5: {  	[tilespmem:s19], [sflag:$0x2] =	stream.indirect.gather [hbm4b:s0+s17], $0x80, s22, s17, $0xb8;
	[tilespmem:$0x1E400] =	vst v63  }
0xf6: {  	_ =	swait.ge [sflag:s20], $0x4000  }
0xf7: {  	[sflag:s20] =	ssyncset.done $0x0  }
0xf8: {  	[sflag:s20] =	ssyncadd.s32 $0xFFFFC000  }
0xf9: {  	[spmem:s4] =	stream.indirect.scatter.add.f32 [tilespmem:s18], [sflag:$0x3], $0x80, s23, s17, $0xb8;
	[tilespmem:$0x1E400] =	vst v63  }
0xfa: {  	_ =	swait.ge [sflag:s15], $0x4000  }
0xfb: {  	[sflag:s15] =	ssyncset.done $0x0  }
0xfc: {  	[sflag:s15] =	ssyncadd.s32 $0xFFFFC000  }
0xfd: {  	[tilespmem:s18], [sflag:$0x1] =	stream.indirect.gather [hbm4b:s0+s17], $0x80, s22, s17, $0xb8;
	[tilespmem:$0x1E400] =	vst v63  }
0xfe: {  	_ =	swait.ge [sflag:s21], $0x4000  }
0xff: {  	[sflag:s21] =	ssyncset.done $0x0  }
0x100: {  	[sflag:s21] =	ssyncadd.s32 $0xFFFFC000  }
0x101: {  	[spmem:s4] =	stream.indirect.scatter.add.f32 [tilespmem:s19], [sflag:$0x3], $0x80, s25, s17, $0xb8;
	[tilespmem:$0x1E400] =	vst v63  }
0x102: {  	_ =	swait.ge [sflag:s15], $0x4000  }
0x103: {  	[sflag:s15] =	ssyncset.done $0x0  }
0x104: {  	[sflag:s15] =	ssyncadd.s32 $0xFFFFC000  }
0x105: {  	_ =	swait.ge [sflag:s20], $0x4000  }
0x106: {  	[sflag:s20] =	ssyncset.done $0x0  }
0x107: {  	s31 =	simm.s32 $0x0;
	[sflag:s20] =	ssyncadd.s32 $0xFFFFC000  }
0x108: {  	[tilespmem:s31], [sflag:$0x3] =	stream.linear.gather [hbm4b:s9+s31], $0x1400, $0x38;
	[tilespmem:$0x1E400] =	vst v63  }
0x109: {  	_ =	swait.ge [sflag:s15], $0x1400  }
0x10a: {  	[sflag:s15] =	ssyncset.done $0x0  }
0x10b: {  	[sflag:s15] =	ssyncadd.s32 $0xFFFFEC00  }
0x10c: {  	[tilespmem:s16], [sflag:$0x3] =	stream.linear.gather [hbm4b:s10+s31], $0x1400, $0x38;
	[tilespmem:$0x1E400] =	vst v63  }
0x10d: {  	_ =	swait.ge [sflag:s15], $0x1400  }
0x10e: {  	[sflag:s15] =	ssyncset.done $0x0  }
0x10f: {  	[sflag:s15] =	ssyncadd.s32 $0xFFFFEC00  }
0x110: {  	[tilespmem:s18], [sflag:$0x1] =	stream.indirect.gather [hbm4b:s0+s17], $0x80, s31, s17, $0xb8;
	[tilespmem:$0x1E400] =	vst v63  }
0x111: {  	s30 =	simm.s32 $0x80  }
0x112: {  	[tilespmem:s19], [sflag:$0x2] =	stream.indirect.gather [hbm4b:s0+s17], $0x80, s30, s17, $0xb8;
	[tilespmem:$0x1E400] =	vst v63  }
0x113: {  	_ =	swait.ge [sflag:s20], $0x4000  }
0x114: {  	[sflag:s20] =	ssyncset.done $0x0  }
0x115: {  	s31 =	simm.s32 $0x1400;
	[sflag:s20] =	ssyncadd.s32 $0xFFFFC000  }
0x116: {  	[spmem:s4] =	stream.indirect.scatter.add.f32 [tilespmem:s18], [sflag:$0x3], $0x80, s31, s17, $0xb8;
	[tilespmem:$0x1E400] =	vst v63  }
0x117: {  	_ =	swait.ge [sflag:s15], $0x4000  }
0x118: {  	[sflag:s15] =	ssyncset.done $0x0  }
0x119: {  	s30 =	simm.s32 $0x100;
	[sflag:s15] =	ssyncadd.s32 $0xFFFFC000  }
0x11a: {  	[tilespmem:s18], [sflag:$0x1] =	stream.indirect.gather [hbm4b:s0+s17], $0x80, s30, s17, $0xb8;
	[tilespmem:$0x1E400] =	vst v63  }
0x11b: {  	_ =	swait.ge [sflag:s21], $0x4000  }
0x11c: {  	[sflag:s21] =	ssyncset.done $0x0  }
0x11d: {  	s31 =	simm.s32 $0x1480;
	[sflag:s21] =	ssyncadd.s32 $0xFFFFC000  }
0x11e: {  	[spmem:s4] =	stream.indirect.scatter.add.f32 [tilespmem:s19], [sflag:$0x3], $0x80, s31, s17, $0xb8;
	[tilespmem:$0x1E400] =	vst v63  }
0x11f: {  	_ =	swait.ge [sflag:s15], $0x4000  }
0x120: {  	s29 =	simm.s32 $0x800;
	s28 =	simm.s32 $0x100;
	[sflag:s15] =	ssyncset.done $0x0  }
.LBB2_5:
0x121: {  	s1 =	sadd.s32 $0x80, s28  }
0x122: {  	[sflag:s15] =	ssyncadd.s32 $0xFFFFC000;
	s30 =	smov.u32 s29;
	s31 =	sadd.s32 $0x400, s29  }
0x123: {  	[tilespmem:s19], [sflag:$0x2] =	stream.indirect.gather [hbm4b:s0+s17], $0x80, s1, s17, $0xb8;
	[tilespmem:$0x1E400] =	vst v63  }
0x124: {  	p1 =	sne.s32 s29, $0x4800;
	_ =	swait.ge [sflag:s20], $0x4000  }
0x125: {  	[sflag:s20] =	ssyncset.done $0x0  }
0x126: {  	s1 =	sadd.s32 $0x1400, s28;
	[sflag:s20] =	ssyncadd.s32 $0xFFFFC000  }
0x127: {  	[spmem:s4] =	stream.indirect.scatter.add.f32 [tilespmem:s18], [sflag:$0x3], $0x80, s1, s17, $0xb8;
	[tilespmem:$0x1E400] =	vst v63  }
0x128: {  	_ =	swait.ge [sflag:s15], $0x4000  }
0x129: {  	[sflag:s15] =	ssyncset.done $0x0  }
0x12a: {  	s1 =	sadd.s32 $0x100, s28;
	[sflag:s15] =	ssyncadd.s32 $0xFFFFC000  }
0x12b: {  	[tilespmem:s18], [sflag:$0x1] =	stream.indirect.gather [hbm4b:s0+s17], $0x80, s1, s17, $0xb8;
	[tilespmem:$0x1E400] =	vst v63  }
0x12c: {  	_ =	swait.ge [sflag:s21], $0x4000  }
.Ltmp7:
0x12d: {  	[sflag:s21] =	ssyncset.done $0x0;
	(pc) =	sbr.rel @p1 .LBB2_5-.Ltmp7, $4  }
0x12e: {  	s1 =	sadd.s32 $0x1480, s28;
	[sflag:s21] =	ssyncadd.s32 $0xFFFFC000  }
0x12f: {  	[spmem:s4] =	stream.indirect.scatter.add.f32 [tilespmem:s19], [sflag:$0x3], $0x80, s1, s17, $0xb8;
	[tilespmem:$0x1E400] =	vst v63  }
0x130: {  	_ =	swait.ge [sflag:s15], $0x4000  }
0x131: {  	s29 =	smov.u32 s31;
	s28 =	sshra.s32 s30, $0x2;
	[sflag:s15] =	ssyncset.done $0x0  }
0x132: {  	s1 =	sadd.s32 $0x80, s28;
	[sflag:s15] =	ssyncadd.s32 $0xFFFFC000  }
0x133: {  	[tilespmem:s19], [sflag:$0x2] =	stream.indirect.gather [hbm4b:s0+s17], $0x80, s1, s17, $0xb8;
	[tilespmem:$0x1E400] =	vst v63  }
0x134: {  	_ =	swait.ge [sflag:s20], $0x4000  }
0x135: {  	[sflag:s20] =	ssyncset.done $0x0  }
0x136: {  	s29 =	sadd.s32 $0x1400, s28;
	[sflag:s20] =	ssyncadd.s32 $0xFFFFC000  }
0x137: {  	[spmem:s4] =	stream.indirect.scatter.add.f32 [tilespmem:s18], [sflag:$0x3], $0x80, s29, s17, $0xb8;
	[tilespmem:$0x1E400] =	vst v63  }
0x138: {  	_ =	swait.ge [sflag:s15], $0x4000  }
0x139: {  	[sflag:s15] =	ssyncset.done $0x0  }
0x13a: {  	s30 =	sadd.s32 $0x100, s28;
	[sflag:s15] =	ssyncadd.s32 $0xFFFFC000  }
0x13b: {  	[tilespmem:s18], [sflag:$0x1] =	stream.indirect.gather [hbm4b:s0+s17], $0x80, s30, s17, $0xb8;
	[tilespmem:$0x1E400] =	vst v63  }
0x13c: {  	_ =	swait.ge [sflag:s21], $0x4000  }
0x13d: {  	[sflag:s21] =	ssyncset.done $0x0  }
0x13e: {  	s31 =	sadd.s32 $0x1480, s28;
	[sflag:s21] =	ssyncadd.s32 $0xFFFFC000  }
0x13f: {  	[spmem:s4] =	stream.indirect.scatter.add.f32 [tilespmem:s19], [sflag:$0x3], $0x80, s31, s17, $0xb8;
	[tilespmem:$0x1E400] =	vst v63  }
0x140: {  	_ =	swait.ge [sflag:s15], $0x4000  }
0x141: {  	[sflag:s15] =	ssyncset.done $0x0  }
0x142: {  	[sflag:s15] =	ssyncadd.s32 $0xFFFFC000  }
0x143: {  	[tilespmem:s19], [sflag:$0x2] =	stream.indirect.gather [hbm4b:s0+s17], $0x80, s22, s17, $0xb8;
	[tilespmem:$0x1E400] =	vst v63  }
0x144: {  	_ =	swait.ge [sflag:s20], $0x4000  }
0x145: {  	[sflag:s20] =	ssyncset.done $0x0  }
0x146: {  	[sflag:s20] =	ssyncadd.s32 $0xFFFFC000  }
0x147: {  	[spmem:s4] =	stream.indirect.scatter.add.f32 [tilespmem:s18], [sflag:$0x3], $0x80, s23, s17, $0xb8;
	[tilespmem:$0x1E400] =	vst v63  }
0x148: {  	_ =	swait.ge [sflag:s15], $0x4000  }
0x149: {  	[sflag:s15] =	ssyncset.done $0x0  }
0x14a: {  	[sflag:s15] =	ssyncadd.s32 $0xFFFFC000  }
0x14b: {  	[tilespmem:s18], [sflag:$0x1] =	stream.indirect.gather [hbm4b:s0+s17], $0x80, s22, s17, $0xb8;
	[tilespmem:$0x1E400] =	vst v63  }
0x14c: {  	_ =	swait.ge [sflag:s21], $0x4000  }
0x14d: {  	[sflag:s21] =	ssyncset.done $0x0  }
0x14e: {  	[sflag:s21] =	ssyncadd.s32 $0xFFFFC000  }
0x14f: {  	[spmem:s4] =	stream.indirect.scatter.add.f32 [tilespmem:s19], [sflag:$0x3], $0x80, s25, s17, $0xb8;
	[tilespmem:$0x1E400] =	vst v63  }
0x150: {  	_ =	swait.ge [sflag:s15], $0x4000  }
0x151: {  	[sflag:s15] =	ssyncset.done $0x0  }
0x152: {  	[sflag:s15] =	ssyncadd.s32 $0xFFFFC000  }
.Ltmp8:
0x153: {  	_ =	swait.ge [sflag:s20], $0x4000;
	(pc) =	sbr.rel .LBB2_12-.Ltmp8, $4  }
0x154: {  	[sflag:s20] =	ssyncset.done $0x0  }
0x155: {  	[sflag:s20] =	ssyncadd.s32 $0xFFFFC000  }
0x156: {  	[bflag:$0x0] =	sbarrier.arrive $0xFFFF  }
0x157: {  	s28 =	smov.u32 s11  }
.LBB2_13:
0x158: {  	_ =	sfence.sel $0x180000  }
0x159: {  	[bflag:$0x0] =	sbarrier.arrive $0xFFFF  }
0x15a: {  	_ =	strace $0x90000047  }
0x15b: {  	[bflag:$0x2] =	sbarrier.arrive $0xFFFF  }
0x15c: {  	p0 =	sne.s32 s3, $0x0;
	s0 =	rddreg [dreg:$0x7]  }
0x15d: {  	s0 =	sadd.s32 @!p0 $0x100000, s0  }
0x15e: {  	[sflag:s0] =	ssyncadd.tile.s32 @!p0 $0x1;
	_ =	shalt  }
.Lfunc_end2:
_tile_overlayer_lowered:
.L_overlay_start_2:
0x15f: {  	(tag) =	ssettag $0x2  }
0x160: {  	s0 =	rddreg [dreg:$0x0];
	s2 =	stileid.u32  }
0x161: {  	s1 =	rddreg [dreg:$0x1];
	p0 =	sne.s32 s2, $0x0  }
0x162: {  	s3 =	rddreg [dreg:$0x2];
	[bflag:$0x3] =	sbarrier.arrive $0xFFFF;
	s2 =	simm.s32 @!p0 $0x1C03  }
0x163: {  	[timem:s3], [sflag:s2] =	dma.local @!p0 [hbm:s0], s1  }
0x164: {  	s0 =	simm.s32 @!p0 $0x3  }
0x165: {  	_ =	swait.ge @!p0 [sflag:s0], s1  }
0x166: {  	s1 =	ssub.s32 @!p0 $0x0, s1;
	[sflag:s0] =	ssyncset.done @!p0 $0x0  }
0x167: {  	[sflag:s0] =	ssyncadd.s32 @!p0 s1  }
0x168: {  	[bflag:$0x3] =	sbarrier.arrive $0xFFFF  }
0x169: {  	_ =	shalt  }

</sc_bundles>
